<compile_context>
chip_gen: v7x
topology: tpu7x:2x2x1
jax: 0.10.2.dev20260603
libtpu: 0.0.44.dev20260713+nightly
codegen_flags: <defaults>
</compile_context>

<pallas_src>
import functools

import jax
import jax.numpy as jnp
from jax import lax
from jax.experimental import pallas as pl
from jax.experimental.pallas import tpu as pltpu
from jax.experimental.pallas import tpu_sc as plsc

N = 10000
E = 160000
F_IN = 514
H = 128
C = 2
G = 64

NC = 2
NS = 16
NW = NC * NS
L = 16

NPAD = 10240
RPW = NPAD // NS
WIN = 128
EPW = 5120
NWIN = EPW // WIN
ET_PAD = NW * EPW
W2P = 16

_mesh = lambda: plsc.VectorSubcoreMesh(
    core_axis_name="c", subcore_axis_name="s", num_cores=NC, num_subcores=NS)


def _drain(dummy_src, dst_ref, sem):
    pltpu.make_async_copy(dummy_src, dst_ref, sem).wait()



def _deg_kernel(dst3, erows, zrows):

    @functools.partial(
        pl.kernel,
        out_type=jax.ShapeDtypeStruct((NC, NPAD, L), jnp.float32),
        mesh=_mesh(),
        scratch_types=[
            pltpu.VMEM((NWIN, WIN), jnp.int32),
            pltpu.VMEM((WIN, L), jnp.float32),
            pltpu.VMEM_SHARED((NPAD, L), jnp.float32),
        ],
    )
    def k(dst_hbm, erows_hbm, zrows_hbm, out_hbm, didx, ones_v, acc):
        cid = lax.axis_index("c")
        sid = lax.axis_index("s")
        wid = cid * NS + sid
        pltpu.sync_copy(erows_hbm, ones_v)
        pltpu.sync_copy(dst_hbm.at[wid], didx)
        pltpu.sync_copy(zrows_hbm, acc.at[pl.ds(sid * RPW, RPW)])
        plsc.subcore_barrier()

        @pl.loop(0, NWIN)
        def _w(j):
            pltpu.sync_copy(ones_v, acc.at[didx.at[j]], add=True)

        plsc.subcore_barrier()
        pltpu.sync_copy(acc.at[pl.ds(sid * RPW, RPW)],
                        out_hbm.at[cid, pl.ds(sid * RPW, RPW)])

    return k(dst3, erows, zrows)


@functools.lru_cache(maxsize=None)
def _make_agg(width, tc_tiling):
    nb = 2
    scratch = [
        pltpu.VMEM((NWIN, WIN), jnp.int32),
        pltpu.VMEM((NWIN, WIN), jnp.int32),
    ] + [pltpu.VMEM((WIN, width), jnp.float32) for _ in range(nb)]
    scratch.append(pltpu.VMEM_SHARED((NPAD, width), jnp.float32))
    scratch += [pltpu.SemaphoreType.DMA] * nb

    @functools.partial(
        pl.kernel,
        out_type=jax.ShapeDtypeStruct((NC, NPAD, width), jnp.float32),
        mesh=_mesh(),
        scratch_types=scratch,
        compiler_params=pltpu.CompilerParams(use_tc_tiling_on_sc=tc_tiling),
    )
    def k(table_hbm, src_hbm, dst_hbm, zrows_hbm, out_hbm, sidx, didx, *rest):
        rows = rest[:nb]
        acc = rest[nb]
        gsem = rest[nb + 1:]
        tab = table_hbm
        cid = lax.axis_index("c")
        sid = lax.axis_index("s")
        wid = cid * NS + sid
        pltpu.sync_copy(src_hbm.at[wid], sidx)
        pltpu.sync_copy(dst_hbm.at[wid], didx)
        pltpu.sync_copy(zrows_hbm, acc.at[pl.ds(sid * RPW, RPW)])
        plsc.subcore_barrier()

        for b in range(nb):
            pltpu.async_copy(tab.at[sidx.at[b]], rows[b], gsem[b])

        @pl.loop(0, NWIN // nb)
        def _w(q):
            for b in range(nb):
                j = q * nb + b
                _drain(table_hbm.at[pl.ds(0, WIN)], rows[b], gsem[b])
                pltpu.sync_copy(rows[b], acc.at[didx.at[j]], add=True)

                @pl.when(j + nb < NWIN)
                def _():
                    pltpu.async_copy(tab.at[sidx.at[j + nb]], rows[b], gsem[b])

        plsc.subcore_barrier()
        pltpu.sync_copy(acc.at[pl.ds(sid * RPW, RPW)],
                        out_hbm.at[cid, pl.ds(sid * RPW, RPW)])

    return k



def _mm_body(x_ref, w_ref, o_ref):
    o_ref[...] = jnp.dot(x_ref[...], w_ref[...],
                         preferred_element_type=jnp.float32)


def _matmul(x, w1):
    bm = 400
    return pl.pallas_call(
        _mm_body,
        grid=(N // bm,),
        in_specs=[
            pl.BlockSpec((bm, F_IN), lambda i: (i, 0)),
            pl.BlockSpec((F_IN, H), lambda i: (0, 0)),
        ],
        out_specs=pl.BlockSpec((bm, H), lambda i: (i, 0)),
        out_shape=jax.ShapeDtypeStruct((N, H), jnp.float32),
    )(x, w1)


def _scale_body(degp_ref, h1_ref, h1s_ref, dinv_ref):
    deg = (degp_ref[0, :N, 0:1] + degp_ref[1, :N, 0:1]) + 1.0
    dinv = lax.rsqrt(deg)
    dinv_ref[...] = dinv
    h1s_ref[...] = h1_ref[...] * dinv


def _scale(degp, h1):
    return pl.pallas_call(
        _scale_body,
        out_shape=(
            jax.ShapeDtypeStruct((N, H), jnp.float32),
            jax.ShapeDtypeStruct((N, 1), jnp.float32),
        ),
    )(degp, h1)


def _layer2_body(part_ref, h1s_ref, dinv_ref, b1_ref, w2_ref, zs_ref):
    dinv = dinv_ref[...]
    pre = (part_ref[0, :N] + part_ref[1, :N] + h1s_ref[...]) * dinv + b1_ref[...]
    rel = jnp.maximum(pre, 0.0)
    z = jnp.dot(rel, w2_ref[...], preferred_element_type=jnp.float32)
    zs_ref[...] = z * dinv


def _layer2(part1, h1s, dinv, b1r, w2p):
    return pl.pallas_call(
        _layer2_body,
        out_shape=jax.ShapeDtypeStruct((N, W2P), jnp.float32),
    )(part1, h1s, dinv, b1r, w2p)


def _pool_body(part_ref, zs_ref, dinv_ref, b2_ref, batch_ref, out_ref):
    vals = ((part_ref[0, :N] + part_ref[1, :N] + zs_ref[...])
            * dinv_ref[...] + b2_ref[...])
    gids = lax.broadcasted_iota(jnp.int32, (N, G), 1)
    onehot = (batch_ref[...] == gids).astype(jnp.float32)
    sums = lax.dot_general(onehot, vals, (((0,), (0,)), ((), ())),
                           preferred_element_type=jnp.float32)
    out_ref[...] = sums[:, :C] / jnp.maximum(sums[:, C:C + 1], 1.0)


def _pool(part2, zs16, dinv, b2r, batchp):
    return pl.pallas_call(
        _pool_body,
        out_shape=jax.ShapeDtypeStruct((G, C), jnp.float32),
    )(part2, zs16, dinv, b2r, batchp)



def kernel(x, edge_index, batch, W1, b1, W2, b2):
    f32 = jnp.float32
    src = edge_index[0]
    dst = edge_index[1]
    npad_e = ET_PAD - E
    pad_lo = jnp.arange(npad_e, dtype=jnp.int32) % 64
    src3 = jnp.concatenate([src, pad_lo]).reshape(NW, NWIN, WIN)
    dst3 = jnp.concatenate([dst, N + pad_lo]).reshape(NW, NWIN, WIN)

    w2p = jnp.pad(W2, ((0, 0), (0, W2P - C)))
    b1r = b1.reshape(1, H)
    b2r = jnp.concatenate(
        [b2, jnp.ones((1,), f32), jnp.zeros((W2P - C - 1,), f32)]).reshape(1, W2P)
    batchp = batch.reshape(N, 1)

    erows = jnp.tile(
        jnp.concatenate([jnp.ones((1,), f32), jnp.zeros((L - 1,), f32)]),
        (WIN, 1)).reshape(WIN, L)
    zrows128 = jnp.zeros((RPW, H), f32)
    zrows16 = jnp.zeros((RPW, W2P), f32)

    h1 = _matmul(x, W1)
    degp = _deg_kernel(dst3, erows, zrows16)
    h1s, dinv = _scale(degp, h1)
    part1 = _make_agg(H, True)(h1s, src3, dst3, zrows128)
    zs16 = _layer2(part1, h1s, dinv, b1r, w2p)
    part2 = _make_agg(W2P, False)(zs16, src3, dst3, zrows16)
    return _pool(part2, zs16, dinv, b2r, batchp)

# --- scband reference (transcript-rebuilt; emitter-appended) ---
"""Pipeline reference for scband-gcn-12850542150600 (READ-ONLY COPY).

The authoritative reference and input builder live on the scoring server;
editing this copy changes nothing except your own understanding.
"""

import jax, jax.numpy as jnp
import numpy as np

N = 10000
E = 160000
F_IN = 514
H = 128
C = 2
G = 64


def setup_inputs(seed: int = 0):
    key = jax.random.key(seed)
    ks = jax.random.split(key, 8)
    x = jax.random.normal(ks[0], (N, F_IN), dtype=jnp.float32)
    edge_index = jax.random.randint(ks[1], (2, E), 0, N, dtype=jnp.int32)
    batch = jnp.sort(jax.random.randint(ks[2], (N,), 0, G, dtype=jnp.int32))
    W1 = jax.random.normal(ks[3], (F_IN, H), dtype=jnp.float32) * 0.05
    b1 = jnp.zeros((H,), dtype=jnp.float32)
    W2 = jax.random.normal(ks[4], (H, C), dtype=jnp.float32) * 0.05
    b2 = jnp.zeros((C,), dtype=jnp.float32)
    return {"x": x, "edge_index": edge_index, "batch": batch, "W1": W1, "b1": b1, "W2": W2, "b2": b2}


def _gcn_conv(x, W, b, src, dst, num_nodes):
    # PyG GCNConv: linear transform, symmetric normalization with self-loops, scatter-add, bias
    h = x @ W
    ones = jnp.ones((src.shape[0],), dtype=h.dtype)
    deg = jnp.zeros((num_nodes,), dtype=h.dtype).at[dst].add(ones)
    dinv = jnp.where(deg > 0, 1.0 / jnp.sqrt(deg), 0.0)
    norm = dinv[src] * dinv[dst]
    msg = h[src] * norm[:, None]
    out = jnp.zeros((num_nodes, h.shape[1]), dtype=h.dtype).at[dst].add(msg)
    return out + b


def reference(x, edge_index, batch, W1, b1, W2, b2):
    n = x.shape[0]
    loop = jnp.arange(n, dtype=edge_index.dtype)
    src = jnp.concatenate([edge_index[0], loop])
    dst = jnp.concatenate([edge_index[1], loop])
    h = _gcn_conv(x, W1, b1, src, dst, n)
    h = jax.nn.relu(h)
    # F.dropout with training=False is identity (eval mode)
    h = _gcn_conv(h, W2, b2, src, dst, n)
    sums = jax.ops.segment_sum(h, batch, num_segments=G)
    counts = jax.ops.segment_sum(jnp.ones((n,), dtype=h.dtype), batch, num_segments=G)
    return sums / jnp.maximum(counts, 1.0)[:, None]

if __name__ == "__main__":
    import jax
    _d = setup_inputs()
    print(jax.jit(kernel)(*tuple(_d.values())))

</pallas_src>

<mosaic_0001>
#map = affine_map<(d0, d1) -> (0, 0)>
#map1 = affine_map<(d0, d1) -> (0, 0, 0)>
module attributes {stable_mosaic.version = 14 : i64} {
  func.func @k(%arg0: i32, %arg1: i32, %arg2: memref<10000x128xf32, #tpu.memory_space<hbm>>, %arg3: memref<32x40x128xi32, #tpu.memory_space<hbm>>, %arg4: memref<32x40x128xi32, #tpu.memory_space<hbm>>, %arg5: memref<640x128xf32, #tpu.memory_space<hbm>>, %arg6: memref<2x10240x128xf32, #tpu.memory_space<hbm>>, %arg7: memref<40x128xi32, #tpu.memory_space<vmem>>, %arg8: memref<40x128xi32, #tpu.memory_space<vmem>>, %arg9: memref<128x128xf32, #tpu.memory_space<vmem>>, %arg10: memref<128x128xf32, #tpu.memory_space<vmem>>, %arg11: memref<10240x128xf32, #tpu.memory_space<vmem_shared>>, %arg12: memref<!tpu.dma_semaphore, #tpu.memory_space<semaphore_mem>>, %arg13: memref<!tpu.dma_semaphore, #tpu.memory_space<semaphore_mem>>) attributes {dimension_semantics = [#tpu.dimension_semantics<core_parallel>, #tpu.dimension_semantics<subcore_parallel>], iteration_bounds = array<i64: 2, 16>, scalar_prefetch = 0 : i64, scratch_operands = 7 : i64, tpu.core_type = #tpu.core_type<sc_vector_subcore>, window_params = [{transform_indices = #map}, {transform_indices = #map1}, {transform_indices = #map1}, {transform_indices = #map}, {transform_indices = #map1}]} {
    %mul3A = arith.constant 16 : i32
    %mul3A_0 = arith.muli %arg0, %mul3A : i32
    %add3A = arith.addi %mul3A_0, %arg1 : i32
    "tpu.region"() ({
      %run_scoped3A = tpu.sem_alloc : memref<!tpu.dma_semaphore, #tpu.memory_space<semaphore_mem>>
      %dma_start3A_25 = arith.constant 0 : i32
      %dma_start3A_26 = arith.constant 0 : i32
      %dma_start3A_27 = tpu.memref_slice %arg3[%add3A, %dma_start3A_25, %dma_start3A_26] : memref<32x40x128xi32, #tpu.memory_space<hbm>> -> memref<1x40x128xi32, #tpu.memory_space<hbm>>
      %dma_start3A_28 = tpu.memref_squeeze %dma_start3A_27 : memref<1x40x128xi32, #tpu.memory_space<hbm>> -> memref<40x128xi32, #tpu.memory_space<hbm>>
      %dma_start3A_29 = arith.constant 0 : i32
      %dma_start3A_30 = arith.constant 0 : i32
      %dma_start3A_31 = tpu.memref_slice %arg3[%add3A, %dma_start3A_29, %dma_start3A_30] : memref<32x40x128xi32, #tpu.memory_space<hbm>> -> memref<1x40x128xi32, #tpu.memory_space<hbm>>
      %dma_start3A_32 = tpu.memref_squeeze %dma_start3A_31 : memref<1x40x128xi32, #tpu.memory_space<hbm>> -> memref<40x128xi32, #tpu.memory_space<hbm>>
      tpu.enqueue_dma source(%dma_start3A_32 : memref<40x128xi32, #tpu.memory_space<hbm>>) target(%arg7 : memref<40x128xi32, #tpu.memory_space<vmem>>) target_semaphore(%run_scoped3A : memref<!tpu.dma_semaphore, #tpu.memory_space<semaphore_mem>>)
      %dma_wait3A = arith.constant 0 : i32
      %dma_wait3A_33 = arith.constant 0 : i32
      %dma_wait3A_34 = tpu.memref_slice %arg3[%add3A, %dma_wait3A, %dma_wait3A_33] : memref<32x40x128xi32, #tpu.memory_space<hbm>> -> memref<1x40x128xi32, #tpu.memory_space<hbm>>
      %dma_wait3A_35 = tpu.memref_squeeze %dma_wait3A_34 : memref<1x40x128xi32, #tpu.memory_space<hbm>> -> memref<40x128xi32, #tpu.memory_space<hbm>>
      %dma_wait3A_36 = arith.constant 0 : i32
      %dma_wait3A_37 = arith.constant 0 : i32
      %dma_wait3A_38 = tpu.memref_slice %arg3[%add3A, %dma_wait3A_36, %dma_wait3A_37] : memref<32x40x128xi32, #tpu.memory_space<hbm>> -> memref<1x40x128xi32, #tpu.memory_space<hbm>>
      %dma_wait3A_39 = tpu.memref_squeeze %dma_wait3A_38 : memref<1x40x128xi32, #tpu.memory_space<hbm>> -> memref<40x128xi32, #tpu.memory_space<hbm>>
      tpu.wait_dma2 semaphore(%run_scoped3A : memref<!tpu.dma_semaphore, #tpu.memory_space<semaphore_mem>>) src(%dma_wait3A_39 : memref<40x128xi32, #tpu.memory_space<hbm>>) dst(%arg7 : memref<40x128xi32, #tpu.memory_space<vmem>>)
      tpu.yield
    }) : () -> ()
    "tpu.region"() ({
      %run_scoped3A = tpu.sem_alloc : memref<!tpu.dma_semaphore, #tpu.memory_space<semaphore_mem>>
      %dma_start3A_25 = arith.constant 0 : i32
      %dma_start3A_26 = arith.constant 0 : i32
      %dma_start3A_27 = tpu.memref_slice %arg4[%add3A, %dma_start3A_25, %dma_start3A_26] : memref<32x40x128xi32, #tpu.memory_space<hbm>> -> memref<1x40x128xi32, #tpu.memory_space<hbm>>
      %dma_start3A_28 = tpu.memref_squeeze %dma_start3A_27 : memref<1x40x128xi32, #tpu.memory_space<hbm>> -> memref<40x128xi32, #tpu.memory_space<hbm>>
      %dma_start3A_29 = arith.constant 0 : i32
      %dma_start3A_30 = arith.constant 0 : i32
      %dma_start3A_31 = tpu.memref_slice %arg4[%add3A, %dma_start3A_29, %dma_start3A_30] : memref<32x40x128xi32, #tpu.memory_space<hbm>> -> memref<1x40x128xi32, #tpu.memory_space<hbm>>
      %dma_start3A_32 = tpu.memref_squeeze %dma_start3A_31 : memref<1x40x128xi32, #tpu.memory_space<hbm>> -> memref<40x128xi32, #tpu.memory_space<hbm>>
      tpu.enqueue_dma source(%dma_start3A_32 : memref<40x128xi32, #tpu.memory_space<hbm>>) target(%arg8 : memref<40x128xi32, #tpu.memory_space<vmem>>) target_semaphore(%run_scoped3A : memref<!tpu.dma_semaphore, #tpu.memory_space<semaphore_mem>>)
      %dma_wait3A = arith.constant 0 : i32
      %dma_wait3A_33 = arith.constant 0 : i32
      %dma_wait3A_34 = tpu.memref_slice %arg4[%add3A, %dma_wait3A, %dma_wait3A_33] : memref<32x40x128xi32, #tpu.memory_space<hbm>> -> memref<1x40x128xi32, #tpu.memory_space<hbm>>
      %dma_wait3A_35 = tpu.memref_squeeze %dma_wait3A_34 : memref<1x40x128xi32, #tpu.memory_space<hbm>> -> memref<40x128xi32, #tpu.memory_space<hbm>>
      %dma_wait3A_36 = arith.constant 0 : i32
      %dma_wait3A_37 = arith.constant 0 : i32
      %dma_wait3A_38 = tpu.memref_slice %arg4[%add3A, %dma_wait3A_36, %dma_wait3A_37] : memref<32x40x128xi32, #tpu.memory_space<hbm>> -> memref<1x40x128xi32, #tpu.memory_space<hbm>>
      %dma_wait3A_39 = tpu.memref_squeeze %dma_wait3A_38 : memref<1x40x128xi32, #tpu.memory_space<hbm>> -> memref<40x128xi32, #tpu.memory_space<hbm>>
      tpu.wait_dma2 semaphore(%run_scoped3A : memref<!tpu.dma_semaphore, #tpu.memory_space<semaphore_mem>>) src(%dma_wait3A_39 : memref<40x128xi32, #tpu.memory_space<hbm>>) dst(%arg8 : memref<40x128xi32, #tpu.memory_space<vmem>>)
      tpu.yield
    }) : () -> ()
    %mul3A_1 = arith.constant 640 : i32
    %mul3A_2 = arith.muli %arg1, %mul3A_1 : i32
    "tpu.region"() ({
      %run_scoped3A = tpu.sem_alloc : memref<!tpu.dma_semaphore, #tpu.memory_space<semaphore_mem>>
      %dma_start3A_25 = arith.constant 0 : i32
      %dma_start3A_26 = tpu.memref_slice %arg11[%mul3A_2, %dma_start3A_25] : memref<10240x128xf32, #tpu.memory_space<vmem_shared>> -> memref<640x128xf32, #tpu.memory_space<vmem_shared>>
      tpu.enqueue_dma source(%arg5 : memref<640x128xf32, #tpu.memory_space<hbm>>) target(%dma_start3A_26 : memref<640x128xf32, #tpu.memory_space<vmem_shared>>) target_semaphore(%run_scoped3A : memref<!tpu.dma_semaphore, #tpu.memory_space<semaphore_mem>>)
      %dma_wait3A = arith.constant 0 : i32
      %dma_wait3A_27 = tpu.memref_slice %arg11[%mul3A_2, %dma_wait3A] : memref<10240x128xf32, #tpu.memory_space<vmem_shared>> -> memref<640x128xf32, #tpu.memory_space<vmem_shared>>
      tpu.wait_dma2 semaphore(%run_scoped3A : memref<!tpu.dma_semaphore, #tpu.memory_space<semaphore_mem>>) src(%arg5 : memref<640x128xf32, #tpu.memory_space<hbm>>) dst(%dma_wait3A_27 : memref<640x128xf32, #tpu.memory_space<vmem_shared>>)
      tpu.yield
    }) : () -> ()
    %barrier3A = arith.constant 0 : index
    tpu.barrier barrier_id(%barrier3A)
    %dma_start3A = arith.constant 0 : i32
    %dma_start3A_3 = arith.constant 0 : i32
    %dma_start3A_4 = tpu.memref_slice %arg7[%dma_start3A, %dma_start3A_3] : memref<40x128xi32, #tpu.memory_space<vmem>> -> memref<1x128xi32, #tpu.memory_space<vmem>>
    %dma_start3A_5 = tpu.memref_squeeze %dma_start3A_4 : memref<1x128xi32, #tpu.memory_space<vmem>> -> memref<128xi32, #tpu.memory_space<vmem>>
    %dma_start3A_6 = arith.constant 0 : i32
    %dma_start3A_7 = arith.constant 0 : i32
    %dma_start3A_8 = tpu.memref_slice %arg2[%dma_start3A_6, %dma_start3A_7] : memref<10000x128xf32, #tpu.memory_space<hbm>> -> memref<10000x128xf32, #tpu.memory_space<hbm>>
    tpu.enqueue_indirect_dma source(%dma_start3A_8 : memref<10000x128xf32, #tpu.memory_space<hbm>>) target(%arg9 : memref<128x128xf32, #tpu.memory_space<vmem>>) offsets(%dma_start3A_5 : memref<128xi32, #tpu.memory_space<vmem>>) semaphore(%arg12 : memref<!tpu.dma_semaphore, #tpu.memory_space<semaphore_mem>>)
    %dma_start3A_9 = arith.constant 1 : i32
    %dma_start3A_10 = arith.constant 0 : i32
    %dma_start3A_11 = tpu.memref_slice %arg7[%dma_start3A_9, %dma_start3A_10] : memref<40x128xi32, #tpu.memory_space<vmem>> -> memref<1x128xi32, #tpu.memory_space<vmem>>
    %dma_start3A_12 = tpu.memref_squeeze %dma_start3A_11 : memref<1x128xi32, #tpu.memory_space<vmem>> -> memref<128xi32, #tpu.memory_space<vmem>>
    %dma_start3A_13 = arith.constant 0 : i32
    %dma_start3A_14 = arith.constant 0 : i32
    %dma_start3A_15 = tpu.memref_slice %arg2[%dma_start3A_13, %dma_start3A_14] : memref<10000x128xf32, #tpu.memory_space<hbm>> -> memref<10000x128xf32, #tpu.memory_space<hbm>>
    tpu.enqueue_indirect_dma source(%dma_start3A_15 : memref<10000x128xf32, #tpu.memory_space<hbm>>) target(%arg10 : memref<128x128xf32, #tpu.memory_space<vmem>>) offsets(%dma_start3A_12 : memref<128xi32, #tpu.memory_space<vmem>>) semaphore(%arg13 : memref<!tpu.dma_semaphore, #tpu.memory_space<semaphore_mem>>)
    %scan3A = arith.constant 0 : i32
    %scan3A_16 = arith.constant 20 : i32
    %scan3A_17 = arith.addi %scan3A, %scan3A_16 : i32
    %scan3A_18 = arith.constant 1 : i32
    scf.for %scan3A_25 = %scan3A to %scan3A_17 step %scan3A_18  : i32 {
      %mul3A_26 = arith.constant 1 : i32
      %mul3A_27 = arith.muli %scan3A_25, %mul3A_26 : i32
      %add3A_28 = arith.constant 0 : i32
      %add3A_29 = arith.addi %add3A_28, %mul3A_27 : i32
      %mul3A_30 = arith.constant 2 : i32
      %mul3A_31 = arith.muli %add3A_29, %mul3A_30 : i32
      %add3A_32 = arith.constant 0 : i32
      %add3A_33 = arith.addi %mul3A_31, %add3A_32 : i32
      %dma_wait3A = arith.constant 0 : i32
      %dma_wait3A_34 = arith.constant 0 : i32
      %dma_wait3A_35 = tpu.memref_slice %arg2[%dma_wait3A, %dma_wait3A_34] : memref<10000x128xf32, #tpu.memory_space<hbm>> -> memref<128x128xf32, #tpu.memory_space<hbm>>
      %dma_wait3A_36 = arith.constant 0 : i32
      %dma_wait3A_37 = arith.constant 0 : i32
      %dma_wait3A_38 = tpu.memref_slice %arg2[%dma_wait3A_36, %dma_wait3A_37] : memref<10000x128xf32, #tpu.memory_space<hbm>> -> memref<128x128xf32, #tpu.memory_space<hbm>>
      tpu.wait_dma2 semaphore(%arg12 : memref<!tpu.dma_semaphore, #tpu.memory_space<semaphore_mem>>) src(%dma_wait3A_38 : memref<128x128xf32, #tpu.memory_space<hbm>>) dst(%arg9 : memref<128x128xf32, #tpu.memory_space<vmem>>)
      "tpu.region"() ({
        %run_scoped3A = tpu.sem_alloc : memref<!tpu.dma_semaphore, #tpu.memory_space<semaphore_mem>>
        %dma_start3A_60 = arith.constant 0 : i32
        %dma_start3A_61 = tpu.memref_slice %arg8[%add3A_33, %dma_start3A_60] : memref<40x128xi32, #tpu.memory_space<vmem>> -> memref<1x128xi32, #tpu.memory_space<vmem>>
        %dma_start3A_62 = tpu.memref_squeeze %dma_start3A_61 : memref<1x128xi32, #tpu.memory_space<vmem>> -> memref<128xi32, #tpu.memory_space<vmem>>
        %dma_start3A_63 = arith.constant 0 : i32
        %dma_start3A_64 = arith.constant 0 : i32
        %dma_start3A_65 = tpu.memref_slice %arg11[%dma_start3A_63, %dma_start3A_64] : memref<10240x128xf32, #tpu.memory_space<vmem_shared>> -> memref<10240x128xf32, #tpu.memory_space<vmem_shared>>
        tpu.enqueue_indirect_dma source(%arg9 : memref<128x128xf32, #tpu.memory_space<vmem>>) target(%dma_start3A_65 : memref<10240x128xf32, #tpu.memory_space<vmem_shared>>) offsets(%dma_start3A_62 : memref<128xi32, #tpu.memory_space<vmem>>) semaphore(%run_scoped3A : memref<!tpu.dma_semaphore, #tpu.memory_space<semaphore_mem>>) {add = true}
        %dma_wait3A_66 = arith.constant 0 : i32
        %dma_wait3A_67 = tpu.memref_slice %arg8[%add3A_33, %dma_wait3A_66] : memref<40x128xi32, #tpu.memory_space<vmem>> -> memref<1x128xi32, #tpu.memory_space<vmem>>
        %dma_wait3A_68 = tpu.memref_squeeze %dma_wait3A_67 : memref<1x128xi32, #tpu.memory_space<vmem>> -> memref<128xi32, #tpu.memory_space<vmem>>
        %dma_wait3A_69 = arith.constant 0 : i32
        %dma_wait3A_70 = arith.constant 0 : i32
        %dma_wait3A_71 = tpu.memref_slice %arg11[%dma_wait3A_69, %dma_wait3A_70] : memref<10240x128xf32, #tpu.memory_space<vmem_shared>> -> memref<10240x128xf32, #tpu.memory_space<vmem_shared>>
        tpu.wait_indirect_dma semaphore(%run_scoped3A : memref<!tpu.dma_semaphore, #tpu.memory_space<semaphore_mem>>) src(%arg9 : memref<128x128xf32, #tpu.memory_space<vmem>>) dst(%dma_wait3A_71 : memref<10240x128xf32, #tpu.memory_space<vmem_shared>>)
        tpu.yield
      }) : () -> ()
      %add3A_39 = arith.constant 2 : i32
      %add3A_40 = arith.addi %add3A_33, %add3A_39 : i32
      %lt3A = arith.constant 40 : i32
      %lt3A_41 = arith.cmpi slt, %add3A_40, %lt3A : i32
      %convert_element_type3A = arith.extui %lt3A_41 : i1 to i32
      %cond3A = arith.constant 0 : i32
      %cond3A_42 = arith.cmpi ne, %convert_element_type3A, %cond3A : i32
      scf.if %cond3A_42 {
        %add3A_60 = arith.constant 2 : i32
        %add3A_61 = arith.addi %add3A_33, %add3A_60 : i32
        %dma_start3A_62 = arith.constant 0 : i32
        %dma_start3A_63 = tpu.memref_slice %arg7[%add3A_61, %dma_start3A_62] : memref<40x128xi32, #tpu.memory_space<vmem>> -> memref<1x128xi32, #tpu.memory_space<vmem>>
        %dma_start3A_64 = tpu.memref_squeeze %dma_start3A_63 : memref<1x128xi32, #tpu.memory_space<vmem>> -> memref<128xi32, #tpu.memory_space<vmem>>
        %dma_start3A_65 = arith.constant 0 : i32
        %dma_start3A_66 = arith.constant 0 : i32
        %dma_start3A_67 = tpu.memref_slice %arg2[%dma_start3A_65, %dma_start3A_66] : memref<10000x128xf32, #tpu.memory_space<hbm>> -> memref<10000x128xf32, #tpu.memory_space<hbm>>
        tpu.enqueue_indirect_dma source(%dma_start3A_67 : memref<10000x128xf32, #tpu.memory_space<hbm>>) target(%arg9 : memref<128x128xf32, #tpu.memory_space<vmem>>) offsets(%dma_start3A_64 : memref<128xi32, #tpu.memory_space<vmem>>) semaphore(%arg12 : memref<!tpu.dma_semaphore, #tpu.memory_space<semaphore_mem>>)
      } else {
      }
      %mul3A_43 = arith.constant 2 : i32
      %mul3A_44 = arith.muli %add3A_29, %mul3A_43 : i32
      %add3A_45 = arith.constant 1 : i32
      %add3A_46 = arith.addi %mul3A_44, %add3A_45 : i32
      %dma_wait3A_47 = arith.constant 0 : i32
      %dma_wait3A_48 = arith.constant 0 : i32
      %dma_wait3A_49 = tpu.memref_slice %arg2[%dma_wait3A_47, %dma_wait3A_48] : memref<10000x128xf32, #tpu.memory_space<hbm>> -> memref<128x128xf32, #tpu.memory_space<hbm>>
      %dma_wait3A_50 = arith.constant 0 : i32
      %dma_wait3A_51 = arith.constant 0 : i32
      %dma_wait3A_52 = tpu.memref_slice %arg2[%dma_wait3A_50, %dma_wait3A_51] : memref<10000x128xf32, #tpu.memory_space<hbm>> -> memref<128x128xf32, #tpu.memory_space<hbm>>
      tpu.wait_dma2 semaphore(%arg13 : memref<!tpu.dma_semaphore, #tpu.memory_space<semaphore_mem>>) src(%dma_wait3A_52 : memref<128x128xf32, #tpu.memory_space<hbm>>) dst(%arg10 : memref<128x128xf32, #tpu.memory_space<vmem>>)
      "tpu.region"() ({
        %run_scoped3A = tpu.sem_alloc : memref<!tpu.dma_semaphore, #tpu.memory_space<semaphore_mem>>
        %dma_start3A_60 = arith.constant 0 : i32
        %dma_start3A_61 = tpu.memref_slice %arg8[%add3A_46, %dma_start3A_60] : memref<40x128xi32, #tpu.memory_space<vmem>> -> memref<1x128xi32, #tpu.memory_space<vmem>>
        %dma_start3A_62 = tpu.memref_squeeze %dma_start3A_61 : memref<1x128xi32, #tpu.memory_space<vmem>> -> memref<128xi32, #tpu.memory_space<vmem>>
        %dma_start3A_63 = arith.constant 0 : i32
        %dma_start3A_64 = arith.constant 0 : i32
        %dma_start3A_65 = tpu.memref_slice %arg11[%dma_start3A_63, %dma_start3A_64] : memref<10240x128xf32, #tpu.memory_space<vmem_shared>> -> memref<10240x128xf32, #tpu.memory_space<vmem_shared>>
        tpu.enqueue_indirect_dma source(%arg10 : memref<128x128xf32, #tpu.memory_space<vmem>>) target(%dma_start3A_65 : memref<10240x128xf32, #tpu.memory_space<vmem_shared>>) offsets(%dma_start3A_62 : memref<128xi32, #tpu.memory_space<vmem>>) semaphore(%run_scoped3A : memref<!tpu.dma_semaphore, #tpu.memory_space<semaphore_mem>>) {add = true}
        %dma_wait3A_66 = arith.constant 0 : i32
        %dma_wait3A_67 = tpu.memref_slice %arg8[%add3A_46, %dma_wait3A_66] : memref<40x128xi32, #tpu.memory_space<vmem>> -> memref<1x128xi32, #tpu.memory_space<vmem>>
        %dma_wait3A_68 = tpu.memref_squeeze %dma_wait3A_67 : memref<1x128xi32, #tpu.memory_space<vmem>> -> memref<128xi32, #tpu.memory_space<vmem>>
        %dma_wait3A_69 = arith.constant 0 : i32
        %dma_wait3A_70 = arith.constant 0 : i32
        %dma_wait3A_71 = tpu.memref_slice %arg11[%dma_wait3A_69, %dma_wait3A_70] : memref<10240x128xf32, #tpu.memory_space<vmem_shared>> -> memref<10240x128xf32, #tpu.memory_space<vmem_shared>>
        tpu.wait_indirect_dma semaphore(%run_scoped3A : memref<!tpu.dma_semaphore, #tpu.memory_space<semaphore_mem>>) src(%arg10 : memref<128x128xf32, #tpu.memory_space<vmem>>) dst(%dma_wait3A_71 : memref<10240x128xf32, #tpu.memory_space<vmem_shared>>)
        tpu.yield
      }) : () -> ()
      %add3A_53 = arith.constant 2 : i32
      %add3A_54 = arith.addi %add3A_46, %add3A_53 : i32
      %lt3A_55 = arith.constant 40 : i32
      %lt3A_56 = arith.cmpi slt, %add3A_54, %lt3A_55 : i32
      %convert_element_type3A_57 = arith.extui %lt3A_56 : i1 to i32
      %cond3A_58 = arith.constant 0 : i32
      %cond3A_59 = arith.cmpi ne, %convert_element_type3A_57, %cond3A_58 : i32
      scf.if %cond3A_59 {
        %add3A_60 = arith.constant 2 : i32
        %add3A_61 = arith.addi %add3A_46, %add3A_60 : i32
        %dma_start3A_62 = arith.constant 0 : i32
        %dma_start3A_63 = tpu.memref_slice %arg7[%add3A_61, %dma_start3A_62] : memref<40x128xi32, #tpu.memory_space<vmem>> -> memref<1x128xi32, #tpu.memory_space<vmem>>
        %dma_start3A_64 = tpu.memref_squeeze %dma_start3A_63 : memref<1x128xi32, #tpu.memory_space<vmem>> -> memref<128xi32, #tpu.memory_space<vmem>>
        %dma_start3A_65 = arith.constant 0 : i32
        %dma_start3A_66 = arith.constant 0 : i32
        %dma_start3A_67 = tpu.memref_slice %arg2[%dma_start3A_65, %dma_start3A_66] : memref<10000x128xf32, #tpu.memory_space<hbm>> -> memref<10000x128xf32, #tpu.memory_space<hbm>>
        tpu.enqueue_indirect_dma source(%dma_start3A_67 : memref<10000x128xf32, #tpu.memory_space<hbm>>) target(%arg10 : memref<128x128xf32, #tpu.memory_space<vmem>>) offsets(%dma_start3A_64 : memref<128xi32, #tpu.memory_space<vmem>>) semaphore(%arg13 : memref<!tpu.dma_semaphore, #tpu.memory_space<semaphore_mem>>)
      } else {
      }
    }
    %scan3A_19 = arith.constant 20 : i32
    %barrier3A_20 = arith.constant 0 : index
    tpu.barrier barrier_id(%barrier3A_20)
    %mul3A_21 = arith.constant 640 : i32
    %mul3A_22 = arith.muli %arg1, %mul3A_21 : i32
    %mul3A_23 = arith.constant 640 : i32
    %mul3A_24 = arith.muli %arg1, %mul3A_23 : i32
    "tpu.region"() ({
      %run_scoped3A = tpu.sem_alloc : memref<!tpu.dma_semaphore, #tpu.memory_space<semaphore_mem>>
      %dma_start3A_25 = arith.constant 0 : i32
      %dma_start3A_26 = tpu.memref_slice %arg6[%arg0, %mul3A_24, %dma_start3A_25] : memref<2x10240x128xf32, #tpu.memory_space<hbm>> -> memref<1x640x128xf32, #tpu.memory_space<hbm>>
      %dma_start3A_27 = tpu.memref_squeeze %dma_start3A_26 : memref<1x640x128xf32, #tpu.memory_space<hbm>> -> memref<640x128xf32, #tpu.memory_space<hbm>>
      %dma_start3A_28 = arith.constant 0 : i32
      %dma_start3A_29 = tpu.memref_slice %arg11[%mul3A_22, %dma_start3A_28] : memref<10240x128xf32, #tpu.memory_space<vmem_shared>> -> memref<640x128xf32, #tpu.memory_space<vmem_shared>>
      tpu.enqueue_dma source(%dma_start3A_29 : memref<640x128xf32, #tpu.memory_space<vmem_shared>>) target(%dma_start3A_27 : memref<640x128xf32, #tpu.memory_space<hbm>>) target_semaphore(%run_scoped3A : memref<!tpu.dma_semaphore, #tpu.memory_space<semaphore_mem>>)
      %dma_wait3A = arith.constant 0 : i32
      %dma_wait3A_30 = tpu.memref_slice %arg6[%arg0, %mul3A_24, %dma_wait3A] : memref<2x10240x128xf32, #tpu.memory_space<hbm>> -> memref<1x640x128xf32, #tpu.memory_space<hbm>>
      %dma_wait3A_31 = tpu.memref_squeeze %dma_wait3A_30 : memref<1x640x128xf32, #tpu.memory_space<hbm>> -> memref<640x128xf32, #tpu.memory_space<hbm>>
      %dma_wait3A_32 = arith.constant 0 : i32
      %dma_wait3A_33 = tpu.memref_slice %arg11[%mul3A_22, %dma_wait3A_32] : memref<10240x128xf32, #tpu.memory_space<vmem_shared>> -> memref<640x128xf32, #tpu.memory_space<vmem_shared>>
      tpu.wait_dma2 semaphore(%run_scoped3A : memref<!tpu.dma_semaphore, #tpu.memory_space<semaphore_mem>>) src(%dma_wait3A_33 : memref<640x128xf32, #tpu.memory_space<vmem_shared>>) dst(%dma_wait3A_31 : memref<640x128xf32, #tpu.memory_space<hbm>>)
      tpu.yield
    }) : () -> ()
    return
  }
}

#map = affine_map<(d0, d1) -> (0, 0)>
#map1 = affine_map<(d0, d1) -> (0, 0, 0)>
module attributes {stable_mosaic.version = 14 : i64} {
  func.func @k(%arg0: i32, %arg1: i32, %arg2: memref<10000x16xf32, #tpu.memory_space<hbm>>, %arg3: memref<32x40x128xi32, #tpu.memory_space<hbm>>, %arg4: memref<32x40x128xi32, #tpu.memory_space<hbm>>, %arg5: memref<640x16xf32, #tpu.memory_space<hbm>>, %arg6: memref<2x10240x16xf32, #tpu.memory_space<hbm>>, %arg7: memref<40x128xi32, #tpu.memory_space<vmem>>, %arg8: memref<40x128xi32, #tpu.memory_space<vmem>>, %arg9: memref<128x16xf32, #tpu.memory_space<vmem>>, %arg10: memref<128x16xf32, #tpu.memory_space<vmem>>, %arg11: memref<10240x16xf32, #tpu.memory_space<vmem_shared>>, %arg12: memref<!tpu.dma_semaphore, #tpu.memory_space<semaphore_mem>>, %arg13: memref<!tpu.dma_semaphore, #tpu.memory_space<semaphore_mem>>) attributes {dimension_semantics = [#tpu.dimension_semantics<core_parallel>, #tpu.dimension_semantics<subcore_parallel>], iteration_bounds = array<i64: 2, 16>, scalar_prefetch = 0 : i64, scratch_operands = 7 : i64, tpu.core_type = #tpu.core_type<sc_vector_subcore>, window_params = [{transform_indices = #map}, {transform_indices = #map1}, {transform_indices = #map1}, {transform_indices = #map}, {transform_indices = #map1}]} {
    %mul3A = arith.constant 16 : i32
    %mul3A_0 = arith.muli %arg0, %mul3A : i32
    %add3A = arith.addi %mul3A_0, %arg1 : i32
    "tpu.region"() ({
      %run_scoped3A = tpu.sem_alloc : memref<!tpu.dma_semaphore, #tpu.memory_space<semaphore_mem>>
      %dma_start3A_25 = arith.constant 0 : i32
      %dma_start3A_26 = arith.constant 0 : i32
      %dma_start3A_27 = tpu.memref_slice %arg3[%add3A, %dma_start3A_25, %dma_start3A_26] : memref<32x40x128xi32, #tpu.memory_space<hbm>> -> memref<1x40x128xi32, #tpu.memory_space<hbm>>
      %dma_start3A_28 = tpu.memref_squeeze %dma_start3A_27 : memref<1x40x128xi32, #tpu.memory_space<hbm>> -> memref<40x128xi32, #tpu.memory_space<hbm>>
      %dma_start3A_29 = arith.constant 0 : i32
      %dma_start3A_30 = arith.constant 0 : i32
      %dma_start3A_31 = tpu.memref_slice %arg3[%add3A, %dma_start3A_29, %dma_start3A_30] : memref<32x40x128xi32, #tpu.memory_space<hbm>> -> memref<1x40x128xi32, #tpu.memory_space<hbm>>
      %dma_start3A_32 = tpu.memref_squeeze %dma_start3A_31 : memref<1x40x128xi32, #tpu.memory_space<hbm>> -> memref<40x128xi32, #tpu.memory_space<hbm>>
      tpu.enqueue_dma source(%dma_start3A_32 : memref<40x128xi32, #tpu.memory_space<hbm>>) target(%arg7 : memref<40x128xi32, #tpu.memory_space<vmem>>) target_semaphore(%run_scoped3A : memref<!tpu.dma_semaphore, #tpu.memory_space<semaphore_mem>>)
      %dma_wait3A = arith.constant 0 : i32
      %dma_wait3A_33 = arith.constant 0 : i32
      %dma_wait3A_34 = tpu.memref_slice %arg3[%add3A, %dma_wait3A, %dma_wait3A_33] : memref<32x40x128xi32, #tpu.memory_space<hbm>> -> memref<1x40x128xi32, #tpu.memory_space<hbm>>
      %dma_wait3A_35 = tpu.memref_squeeze %dma_wait3A_34 : memref<1x40x128xi32, #tpu.memory_space<hbm>> -> memref<40x128xi32, #tpu.memory_space<hbm>>
      %dma_wait3A_36 = arith.constant 0 : i32
      %dma_wait3A_37 = arith.constant 0 : i32
      %dma_wait3A_38 = tpu.memref_slice %arg3[%add3A, %dma_wait3A_36, %dma_wait3A_37] : memref<32x40x128xi32, #tpu.memory_space<hbm>> -> memref<1x40x128xi32, #tpu.memory_space<hbm>>
      %dma_wait3A_39 = tpu.memref_squeeze %dma_wait3A_38 : memref<1x40x128xi32, #tpu.memory_space<hbm>> -> memref<40x128xi32, #tpu.memory_space<hbm>>
      tpu.wait_dma2 semaphore(%run_scoped3A : memref<!tpu.dma_semaphore, #tpu.memory_space<semaphore_mem>>) src(%dma_wait3A_39 : memref<40x128xi32, #tpu.memory_space<hbm>>) dst(%arg7 : memref<40x128xi32, #tpu.memory_space<vmem>>)
      tpu.yield
    }) : () -> ()
    "tpu.region"() ({
      %run_scoped3A = tpu.sem_alloc : memref<!tpu.dma_semaphore, #tpu.memory_space<semaphore_mem>>
      %dma_start3A_25 = arith.constant 0 : i32
      %dma_start3A_26 = arith.constant 0 : i32
      %dma_start3A_27 = tpu.memref_slice %arg4[%add3A, %dma_start3A_25, %dma_start3A_26] : memref<32x40x128xi32, #tpu.memory_space<hbm>> -> memref<1x40x128xi32, #tpu.memory_space<hbm>>
      %dma_start3A_28 = tpu.memref_squeeze %dma_start3A_27 : memref<1x40x128xi32, #tpu.memory_space<hbm>> -> memref<40x128xi32, #tpu.memory_space<hbm>>
      %dma_start3A_29 = arith.constant 0 : i32
      %dma_start3A_30 = arith.constant 0 : i32
      %dma_start3A_31 = tpu.memref_slice %arg4[%add3A, %dma_start3A_29, %dma_start3A_30] : memref<32x40x128xi32, #tpu.memory_space<hbm>> -> memref<1x40x128xi32, #tpu.memory_space<hbm>>
      %dma_start3A_32 = tpu.memref_squeeze %dma_start3A_31 : memref<1x40x128xi32, #tpu.memory_space<hbm>> -> memref<40x128xi32, #tpu.memory_space<hbm>>
      tpu.enqueue_dma source(%dma_start3A_32 : memref<40x128xi32, #tpu.memory_space<hbm>>) target(%arg8 : memref<40x128xi32, #tpu.memory_space<vmem>>) target_semaphore(%run_scoped3A : memref<!tpu.dma_semaphore, #tpu.memory_space<semaphore_mem>>)
      %dma_wait3A = arith.constant 0 : i32
      %dma_wait3A_33 = arith.constant 0 : i32
      %dma_wait3A_34 = tpu.memref_slice %arg4[%add3A, %dma_wait3A, %dma_wait3A_33] : memref<32x40x128xi32, #tpu.memory_space<hbm>> -> memref<1x40x128xi32, #tpu.memory_space<hbm>>
      %dma_wait3A_35 = tpu.memref_squeeze %dma_wait3A_34 : memref<1x40x128xi32, #tpu.memory_space<hbm>> -> memref<40x128xi32, #tpu.memory_space<hbm>>
      %dma_wait3A_36 = arith.constant 0 : i32
      %dma_wait3A_37 = arith.constant 0 : i32
      %dma_wait3A_38 = tpu.memref_slice %arg4[%add3A, %dma_wait3A_36, %dma_wait3A_37] : memref<32x40x128xi32, #tpu.memory_space<hbm>> -> memref<1x40x128xi32, #tpu.memory_space<hbm>>
      %dma_wait3A_39 = tpu.memref_squeeze %dma_wait3A_38 : memref<1x40x128xi32, #tpu.memory_space<hbm>> -> memref<40x128xi32, #tpu.memory_space<hbm>>
      tpu.wait_dma2 semaphore(%run_scoped3A : memref<!tpu.dma_semaphore, #tpu.memory_space<semaphore_mem>>) src(%dma_wait3A_39 : memref<40x128xi32, #tpu.memory_space<hbm>>) dst(%arg8 : memref<40x128xi32, #tpu.memory_space<vmem>>)
      tpu.yield
    }) : () -> ()
    %mul3A_1 = arith.constant 640 : i32
    %mul3A_2 = arith.muli %arg1, %mul3A_1 : i32
    "tpu.region"() ({
      %run_scoped3A = tpu.sem_alloc : memref<!tpu.dma_semaphore, #tpu.memory_space<semaphore_mem>>
      %dma_start3A_25 = arith.constant 0 : i32
      %dma_start3A_26 = tpu.memref_slice %arg11[%mul3A_2, %dma_start3A_25] : memref<10240x16xf32, #tpu.memory_space<vmem_shared>> -> memref<640x16xf32, #tpu.memory_space<vmem_shared>>
      tpu.enqueue_dma source(%arg5 : memref<640x16xf32, #tpu.memory_space<hbm>>) target(%dma_start3A_26 : memref<640x16xf32, #tpu.memory_space<vmem_shared>>) target_semaphore(%run_scoped3A : memref<!tpu.dma_semaphore, #tpu.memory_space<semaphore_mem>>)
      %dma_wait3A = arith.constant 0 : i32
      %dma_wait3A_27 = tpu.memref_slice %arg11[%mul3A_2, %dma_wait3A] : memref<10240x16xf32, #tpu.memory_space<vmem_shared>> -> memref<640x16xf32, #tpu.memory_space<vmem_shared>>
      tpu.wait_dma2 semaphore(%run_scoped3A : memref<!tpu.dma_semaphore, #tpu.memory_space<semaphore_mem>>) src(%arg5 : memref<640x16xf32, #tpu.memory_space<hbm>>) dst(%dma_wait3A_27 : memref<640x16xf32, #tpu.memory_space<vmem_shared>>)
      tpu.yield
    }) : () -> ()
    %barrier3A = arith.constant 0 : index
    tpu.barrier barrier_id(%barrier3A)
    %dma_start3A = arith.constant 0 : i32
    %dma_start3A_3 = arith.constant 0 : i32
    %dma_start3A_4 = tpu.memref_slice %arg7[%dma_start3A, %dma_start3A_3] : memref<40x128xi32, #tpu.memory_space<vmem>> -> memref<1x128xi32, #tpu.memory_space<vmem>>
    %dma_start3A_5 = tpu.memref_squeeze %dma_start3A_4 : memref<1x128xi32, #tpu.memory_space<vmem>> -> memref<128xi32, #tpu.memory_space<vmem>>
    %dma_start3A_6 = arith.constant 0 : i32
    %dma_start3A_7 = arith.constant 0 : i32
    %dma_start3A_8 = tpu.memref_slice %arg2[%dma_start3A_6, %dma_start3A_7] : memref<10000x16xf32, #tpu.memory_space<hbm>> -> memref<10000x16xf32, #tpu.memory_space<hbm>>
    tpu.enqueue_indirect_dma source(%dma_start3A_8 : memref<10000x16xf32, #tpu.memory_space<hbm>>) target(%arg9 : memref<128x16xf32, #tpu.memory_space<vmem>>) offsets(%dma_start3A_5 : memref<128xi32, #tpu.memory_space<vmem>>) semaphore(%arg12 : memref<!tpu.dma_semaphore, #tpu.memory_space<semaphore_mem>>)
    %dma_start3A_9 = arith.constant 1 : i32
    %dma_start3A_10 = arith.constant 0 : i32
    %dma_start3A_11 = tpu.memref_slice %arg7[%dma_start3A_9, %dma_start3A_10] : memref<40x128xi32, #tpu.memory_space<vmem>> -> memref<1x128xi32, #tpu.memory_space<vmem>>
    %dma_start3A_12 = tpu.memref_squeeze %dma_start3A_11 : memref<1x128xi32, #tpu.memory_space<vmem>> -> memref<128xi32, #tpu.memory_space<vmem>>
    %dma_start3A_13 = arith.constant 0 : i32
    %dma_start3A_14 = arith.constant 0 : i32
    %dma_start3A_15 = tpu.memref_slice %arg2[%dma_start3A_13, %dma_start3A_14] : memref<10000x16xf32, #tpu.memory_space<hbm>> -> memref<10000x16xf32, #tpu.memory_space<hbm>>
    tpu.enqueue_indirect_dma source(%dma_start3A_15 : memref<10000x16xf32, #tpu.memory_space<hbm>>) target(%arg10 : memref<128x16xf32, #tpu.memory_space<vmem>>) offsets(%dma_start3A_12 : memref<128xi32, #tpu.memory_space<vmem>>) semaphore(%arg13 : memref<!tpu.dma_semaphore, #tpu.memory_space<semaphore_mem>>)
    %scan3A = arith.constant 0 : i32
    %scan3A_16 = arith.constant 20 : i32
    %scan3A_17 = arith.addi %scan3A, %scan3A_16 : i32
    %scan3A_18 = arith.constant 1 : i32
    scf.for %scan3A_25 = %scan3A to %scan3A_17 step %scan3A_18  : i32 {
      %mul3A_26 = arith.constant 1 : i32
      %mul3A_27 = arith.muli %scan3A_25, %mul3A_26 : i32
      %add3A_28 = arith.constant 0 : i32
      %add3A_29 = arith.addi %add3A_28, %mul3A_27 : i32
      %mul3A_30 = arith.constant 2 : i32
      %mul3A_31 = arith.muli %add3A_29, %mul3A_30 : i32
      %add3A_32 = arith.constant 0 : i32
      %add3A_33 = arith.addi %mul3A_31, %add3A_32 : i32
      %dma_wait3A = arith.constant 0 : i32
      %dma_wait3A_34 = arith.constant 0 : i32
      %dma_wait3A_35 = tpu.memref_slice %arg2[%dma_wait3A, %dma_wait3A_34] : memref<10000x16xf32, #tpu.memory_space<hbm>> -> memref<128x16xf32, #tpu.memory_space<hbm>>
      %dma_wait3A_36 = arith.constant 0 : i32
      %dma_wait3A_37 = arith.constant 0 : i32
      %dma_wait3A_38 = tpu.memref_slice %arg2[%dma_wait3A_36, %dma_wait3A_37] : memref<10000x16xf32, #tpu.memory_space<hbm>> -> memref<128x16xf32, #tpu.memory_space<hbm>>
      tpu.wait_dma2 semaphore(%arg12 : memref<!tpu.dma_semaphore, #tpu.memory_space<semaphore_mem>>) src(%dma_wait3A_38 : memref<128x16xf32, #tpu.memory_space<hbm>>) dst(%arg9 : memref<128x16xf32, #tpu.memory_space<vmem>>)
      "tpu.region"() ({
        %run_scoped3A = tpu.sem_alloc : memref<!tpu.dma_semaphore, #tpu.memory_space<semaphore_mem>>
        %dma_start3A_60 = arith.constant 0 : i32
        %dma_start3A_61 = tpu.memref_slice %arg8[%add3A_33, %dma_start3A_60] : memref<40x128xi32, #tpu.memory_space<vmem>> -> memref<1x128xi32, #tpu.memory_space<vmem>>
        %dma_start3A_62 = tpu.memref_squeeze %dma_start3A_61 : memref<1x128xi32, #tpu.memory_space<vmem>> -> memref<128xi32, #tpu.memory_space<vmem>>
        %dma_start3A_63 = arith.constant 0 : i32
        %dma_start3A_64 = arith.constant 0 : i32
        %dma_start3A_65 = tpu.memref_slice %arg11[%dma_start3A_63, %dma_start3A_64] : memref<10240x16xf32, #tpu.memory_space<vmem_shared>> -> memref<10240x16xf32, #tpu.memory_space<vmem_shared>>
        tpu.enqueue_indirect_dma source(%arg9 : memref<128x16xf32, #tpu.memory_space<vmem>>) target(%dma_start3A_65 : memref<10240x16xf32, #tpu.memory_space<vmem_shared>>) offsets(%dma_start3A_62 : memref<128xi32, #tpu.memory_space<vmem>>) semaphore(%run_scoped3A : memref<!tpu.dma_semaphore, #tpu.memory_space<semaphore_mem>>) {add = true}
        %dma_wait3A_66 = arith.constant 0 : i32
        %dma_wait3A_67 = tpu.memref_slice %arg8[%add3A_33, %dma_wait3A_66] : memref<40x128xi32, #tpu.memory_space<vmem>> -> memref<1x128xi32, #tpu.memory_space<vmem>>
        %dma_wait3A_68 = tpu.memref_squeeze %dma_wait3A_67 : memref<1x128xi32, #tpu.memory_space<vmem>> -> memref<128xi32, #tpu.memory_space<vmem>>
        %dma_wait3A_69 = arith.constant 0 : i32
        %dma_wait3A_70 = arith.constant 0 : i32
        %dma_wait3A_71 = tpu.memref_slice %arg11[%dma_wait3A_69, %dma_wait3A_70] : memref<10240x16xf32, #tpu.memory_space<vmem_shared>> -> memref<10240x16xf32, #tpu.memory_space<vmem_shared>>
        tpu.wait_indirect_dma semaphore(%run_scoped3A : memref<!tpu.dma_semaphore, #tpu.memory_space<semaphore_mem>>) src(%arg9 : memref<128x16xf32, #tpu.memory_space<vmem>>) dst(%dma_wait3A_71 : memref<10240x16xf32, #tpu.memory_space<vmem_shared>>)
        tpu.yield
      }) : () -> ()
      %add3A_39 = arith.constant 2 : i32
      %add3A_40 = arith.addi %add3A_33, %add3A_39 : i32
      %lt3A = arith.constant 40 : i32
      %lt3A_41 = arith.cmpi slt, %add3A_40, %lt3A : i32
      %convert_element_type3A = arith.extui %lt3A_41 : i1 to i32
      %cond3A = arith.constant 0 : i32
      %cond3A_42 = arith.cmpi ne, %convert_element_type3A, %cond3A : i32
      scf.if %cond3A_42 {
        %add3A_60 = arith.constant 2 : i32
        %add3A_61 = arith.addi %add3A_33, %add3A_60 : i32
        %dma_start3A_62 = arith.constant 0 : i32
        %dma_start3A_63 = tpu.memref_slice %arg7[%add3A_61, %dma_start3A_62] : memref<40x128xi32, #tpu.memory_space<vmem>> -> memref<1x128xi32, #tpu.memory_space<vmem>>
        %dma_start3A_64 = tpu.memref_squeeze %dma_start3A_63 : memref<1x128xi32, #tpu.memory_space<vmem>> -> memref<128xi32, #tpu.memory_space<vmem>>
        %dma_start3A_65 = arith.constant 0 : i32
        %dma_start3A_66 = arith.constant 0 : i32
        %dma_start3A_67 = tpu.memref_slice %arg2[%dma_start3A_65, %dma_start3A_66] : memref<10000x16xf32, #tpu.memory_space<hbm>> -> memref<10000x16xf32, #tpu.memory_space<hbm>>
        tpu.enqueue_indirect_dma source(%dma_start3A_67 : memref<10000x16xf32, #tpu.memory_space<hbm>>) target(%arg9 : memref<128x16xf32, #tpu.memory_space<vmem>>) offsets(%dma_start3A_64 : memref<128xi32, #tpu.memory_space<vmem>>) semaphore(%arg12 : memref<!tpu.dma_semaphore, #tpu.memory_space<semaphore_mem>>)
      } else {
      }
      %mul3A_43 = arith.constant 2 : i32
      %mul3A_44 = arith.muli %add3A_29, %mul3A_43 : i32
      %add3A_45 = arith.constant 1 : i32
      %add3A_46 = arith.addi %mul3A_44, %add3A_45 : i32
      %dma_wait3A_47 = arith.constant 0 : i32
      %dma_wait3A_48 = arith.constant 0 : i32
      %dma_wait3A_49 = tpu.memref_slice %arg2[%dma_wait3A_47, %dma_wait3A_48] : memref<10000x16xf32, #tpu.memory_space<hbm>> -> memref<128x16xf32, #tpu.memory_space<hbm>>
      %dma_wait3A_50 = arith.constant 0 : i32
      %dma_wait3A_51 = arith.constant 0 : i32
      %dma_wait3A_52 = tpu.memref_slice %arg2[%dma_wait3A_50, %dma_wait3A_51] : memref<10000x16xf32, #tpu.memory_space<hbm>> -> memref<128x16xf32, #tpu.memory_space<hbm>>
      tpu.wait_dma2 semaphore(%arg13 : memref<!tpu.dma_semaphore, #tpu.memory_space<semaphore_mem>>) src(%dma_wait3A_52 : memref<128x16xf32, #tpu.memory_space<hbm>>) dst(%arg10 : memref<128x16xf32, #tpu.memory_space<vmem>>)
      "tpu.region"() ({
        %run_scoped3A = tpu.sem_alloc : memref<!tpu.dma_semaphore, #tpu.memory_space<semaphore_mem>>
        %dma_start3A_60 = arith.constant 0 : i32
        %dma_start3A_61 = tpu.memref_slice %arg8[%add3A_46, %dma_start3A_60] : memref<40x128xi32, #tpu.memory_space<vmem>> -> memref<1x128xi32, #tpu.memory_space<vmem>>
        %dma_start3A_62 = tpu.memref_squeeze %dma_start3A_61 : memref<1x128xi32, #tpu.memory_space<vmem>> -> memref<128xi32, #tpu.memory_space<vmem>>
        %dma_start3A_63 = arith.constant 0 : i32
        %dma_start3A_64 = arith.constant 0 : i32
        %dma_start3A_65 = tpu.memref_slice %arg11[%dma_start3A_63, %dma_start3A_64] : memref<10240x16xf32, #tpu.memory_space<vmem_shared>> -> memref<10240x16xf32, #tpu.memory_space<vmem_shared>>
        tpu.enqueue_indirect_dma source(%arg10 : memref<128x16xf32, #tpu.memory_space<vmem>>) target(%dma_start3A_65 : memref<10240x16xf32, #tpu.memory_space<vmem_shared>>) offsets(%dma_start3A_62 : memref<128xi32, #tpu.memory_space<vmem>>) semaphore(%run_scoped3A : memref<!tpu.dma_semaphore, #tpu.memory_space<semaphore_mem>>) {add = true}
        %dma_wait3A_66 = arith.constant 0 : i32
        %dma_wait3A_67 = tpu.memref_slice %arg8[%add3A_46, %dma_wait3A_66] : memref<40x128xi32, #tpu.memory_space<vmem>> -> memref<1x128xi32, #tpu.memory_space<vmem>>
        %dma_wait3A_68 = tpu.memref_squeeze %dma_wait3A_67 : memref<1x128xi32, #tpu.memory_space<vmem>> -> memref<128xi32, #tpu.memory_space<vmem>>
        %dma_wait3A_69 = arith.constant 0 : i32
        %dma_wait3A_70 = arith.constant 0 : i32
        %dma_wait3A_71 = tpu.memref_slice %arg11[%dma_wait3A_69, %dma_wait3A_70] : memref<10240x16xf32, #tpu.memory_space<vmem_shared>> -> memref<10240x16xf32, #tpu.memory_space<vmem_shared>>
        tpu.wait_indirect_dma semaphore(%run_scoped3A : memref<!tpu.dma_semaphore, #tpu.memory_space<semaphore_mem>>) src(%arg10 : memref<128x16xf32, #tpu.memory_space<vmem>>) dst(%dma_wait3A_71 : memref<10240x16xf32, #tpu.memory_space<vmem_shared>>)
        tpu.yield
      }) : () -> ()
      %add3A_53 = arith.constant 2 : i32
      %add3A_54 = arith.addi %add3A_46, %add3A_53 : i32
      %lt3A_55 = arith.constant 40 : i32
      %lt3A_56 = arith.cmpi slt, %add3A_54, %lt3A_55 : i32
      %convert_element_type3A_57 = arith.extui %lt3A_56 : i1 to i32
      %cond3A_58 = arith.constant 0 : i32
      %cond3A_59 = arith.cmpi ne, %convert_element_type3A_57, %cond3A_58 : i32
      scf.if %cond3A_59 {
        %add3A_60 = arith.constant 2 : i32
        %add3A_61 = arith.addi %add3A_46, %add3A_60 : i32
        %dma_start3A_62 = arith.constant 0 : i32
        %dma_start3A_63 = tpu.memref_slice %arg7[%add3A_61, %dma_start3A_62] : memref<40x128xi32, #tpu.memory_space<vmem>> -> memref<1x128xi32, #tpu.memory_space<vmem>>
        %dma_start3A_64 = tpu.memref_squeeze %dma_start3A_63 : memref<1x128xi32, #tpu.memory_space<vmem>> -> memref<128xi32, #tpu.memory_space<vmem>>
        %dma_start3A_65 = arith.constant 0 : i32
        %dma_start3A_66 = arith.constant 0 : i32
        %dma_start3A_67 = tpu.memref_slice %arg2[%dma_start3A_65, %dma_start3A_66] : memref<10000x16xf32, #tpu.memory_space<hbm>> -> memref<10000x16xf32, #tpu.memory_space<hbm>>
        tpu.enqueue_indirect_dma source(%dma_start3A_67 : memref<10000x16xf32, #tpu.memory_space<hbm>>) target(%arg10 : memref<128x16xf32, #tpu.memory_space<vmem>>) offsets(%dma_start3A_64 : memref<128xi32, #tpu.memory_space<vmem>>) semaphore(%arg13 : memref<!tpu.dma_semaphore, #tpu.memory_space<semaphore_mem>>)
      } else {
      }
    }
    %scan3A_19 = arith.constant 20 : i32
    %barrier3A_20 = arith.constant 0 : index
    tpu.barrier barrier_id(%barrier3A_20)
    %mul3A_21 = arith.constant 640 : i32
    %mul3A_22 = arith.muli %arg1, %mul3A_21 : i32
    %mul3A_23 = arith.constant 640 : i32
    %mul3A_24 = arith.muli %arg1, %mul3A_23 : i32
    "tpu.region"() ({
      %run_scoped3A = tpu.sem_alloc : memref<!tpu.dma_semaphore, #tpu.memory_space<semaphore_mem>>
      %dma_start3A_25 = arith.constant 0 : i32
      %dma_start3A_26 = tpu.memref_slice %arg6[%arg0, %mul3A_24, %dma_start3A_25] : memref<2x10240x16xf32, #tpu.memory_space<hbm>> -> memref<1x640x16xf32, #tpu.memory_space<hbm>>
      %dma_start3A_27 = tpu.memref_squeeze %dma_start3A_26 : memref<1x640x16xf32, #tpu.memory_space<hbm>> -> memref<640x16xf32, #tpu.memory_space<hbm>>
      %dma_start3A_28 = arith.constant 0 : i32
      %dma_start3A_29 = tpu.memref_slice %arg11[%mul3A_22, %dma_start3A_28] : memref<10240x16xf32, #tpu.memory_space<vmem_shared>> -> memref<640x16xf32, #tpu.memory_space<vmem_shared>>
      tpu.enqueue_dma source(%dma_start3A_29 : memref<640x16xf32, #tpu.memory_space<vmem_shared>>) target(%dma_start3A_27 : memref<640x16xf32, #tpu.memory_space<hbm>>) target_semaphore(%run_scoped3A : memref<!tpu.dma_semaphore, #tpu.memory_space<semaphore_mem>>)
      %dma_wait3A = arith.constant 0 : i32
      %dma_wait3A_30 = tpu.memref_slice %arg6[%arg0, %mul3A_24, %dma_wait3A] : memref<2x10240x16xf32, #tpu.memory_space<hbm>> -> memref<1x640x16xf32, #tpu.memory_space<hbm>>
      %dma_wait3A_31 = tpu.memref_squeeze %dma_wait3A_30 : memref<1x640x16xf32, #tpu.memory_space<hbm>> -> memref<640x16xf32, #tpu.memory_space<hbm>>
      %dma_wait3A_32 = arith.constant 0 : i32
      %dma_wait3A_33 = tpu.memref_slice %arg11[%mul3A_22, %dma_wait3A_32] : memref<10240x16xf32, #tpu.memory_space<vmem_shared>> -> memref<640x16xf32, #tpu.memory_space<vmem_shared>>
      tpu.wait_dma2 semaphore(%run_scoped3A : memref<!tpu.dma_semaphore, #tpu.memory_space<semaphore_mem>>) src(%dma_wait3A_33 : memref<640x16xf32, #tpu.memory_space<vmem_shared>>) dst(%dma_wait3A_31 : memref<640x16xf32, #tpu.memory_space<hbm>>)
      tpu.yield
    }) : () -> ()
    return
  }
}

#map = affine_map<(d0, d1) -> (0, 0, 0)>
#map1 = affine_map<(d0, d1) -> (0, 0)>
module attributes {stable_mosaic.version = 14 : i64} {
  func.func @k(%arg0: i32, %arg1: i32, %arg2: memref<32x40x128xi32, #tpu.memory_space<hbm>>, %arg3: memref<128x16xf32, #tpu.memory_space<hbm>>, %arg4: memref<640x16xf32, #tpu.memory_space<hbm>>, %arg5: memref<2x10240x16xf32, #tpu.memory_space<hbm>>, %arg6: memref<40x128xi32, #tpu.memory_space<vmem>>, %arg7: memref<128x16xf32, #tpu.memory_space<vmem>>, %arg8: memref<10240x16xf32, #tpu.memory_space<vmem_shared>>) attributes {dimension_semantics = [#tpu.dimension_semantics<core_parallel>, #tpu.dimension_semantics<subcore_parallel>], iteration_bounds = array<i64: 2, 16>, scalar_prefetch = 0 : i64, scratch_operands = 3 : i64, tpu.core_type = #tpu.core_type<sc_vector_subcore>, window_params = [{transform_indices = #map}, {transform_indices = #map1}, {transform_indices = #map1}, {transform_indices = #map}]} {
    %mul3A = arith.constant 16 : i32
    %mul3A_0 = arith.muli %arg0, %mul3A : i32
    %add3A = arith.addi %mul3A_0, %arg1 : i32
    "tpu.region"() ({
      %run_scoped3A = tpu.sem_alloc : memref<!tpu.dma_semaphore, #tpu.memory_space<semaphore_mem>>
      tpu.enqueue_dma source(%arg3 : memref<128x16xf32, #tpu.memory_space<hbm>>) target(%arg7 : memref<128x16xf32, #tpu.memory_space<vmem>>) target_semaphore(%run_scoped3A : memref<!tpu.dma_semaphore, #tpu.memory_space<semaphore_mem>>)
      tpu.wait_dma2 semaphore(%run_scoped3A : memref<!tpu.dma_semaphore, #tpu.memory_space<semaphore_mem>>) src(%arg3 : memref<128x16xf32, #tpu.memory_space<hbm>>) dst(%arg7 : memref<128x16xf32, #tpu.memory_space<vmem>>)
      tpu.yield
    }) : () -> ()
    "tpu.region"() ({
      %run_scoped3A = tpu.sem_alloc : memref<!tpu.dma_semaphore, #tpu.memory_space<semaphore_mem>>
      %dma_start3A = arith.constant 0 : i32
      %dma_start3A_12 = arith.constant 0 : i32
      %dma_start3A_13 = tpu.memref_slice %arg2[%add3A, %dma_start3A, %dma_start3A_12] : memref<32x40x128xi32, #tpu.memory_space<hbm>> -> memref<1x40x128xi32, #tpu.memory_space<hbm>>
      %dma_start3A_14 = tpu.memref_squeeze %dma_start3A_13 : memref<1x40x128xi32, #tpu.memory_space<hbm>> -> memref<40x128xi32, #tpu.memory_space<hbm>>
      %dma_start3A_15 = arith.constant 0 : i32
      %dma_start3A_16 = arith.constant 0 : i32
      %dma_start3A_17 = tpu.memref_slice %arg2[%add3A, %dma_start3A_15, %dma_start3A_16] : memref<32x40x128xi32, #tpu.memory_space<hbm>> -> memref<1x40x128xi32, #tpu.memory_space<hbm>>
      %dma_start3A_18 = tpu.memref_squeeze %dma_start3A_17 : memref<1x40x128xi32, #tpu.memory_space<hbm>> -> memref<40x128xi32, #tpu.memory_space<hbm>>
      tpu.enqueue_dma source(%dma_start3A_18 : memref<40x128xi32, #tpu.memory_space<hbm>>) target(%arg6 : memref<40x128xi32, #tpu.memory_space<vmem>>) target_semaphore(%run_scoped3A : memref<!tpu.dma_semaphore, #tpu.memory_space<semaphore_mem>>)
      %dma_wait3A = arith.constant 0 : i32
      %dma_wait3A_19 = arith.constant 0 : i32
      %dma_wait3A_20 = tpu.memref_slice %arg2[%add3A, %dma_wait3A, %dma_wait3A_19] : memref<32x40x128xi32, #tpu.memory_space<hbm>> -> memref<1x40x128xi32, #tpu.memory_space<hbm>>
      %dma_wait3A_21 = tpu.memref_squeeze %dma_wait3A_20 : memref<1x40x128xi32, #tpu.memory_space<hbm>> -> memref<40x128xi32, #tpu.memory_space<hbm>>
      %dma_wait3A_22 = arith.constant 0 : i32
      %dma_wait3A_23 = arith.constant 0 : i32
      %dma_wait3A_24 = tpu.memref_slice %arg2[%add3A, %dma_wait3A_22, %dma_wait3A_23] : memref<32x40x128xi32, #tpu.memory_space<hbm>> -> memref<1x40x128xi32, #tpu.memory_space<hbm>>
      %dma_wait3A_25 = tpu.memref_squeeze %dma_wait3A_24 : memref<1x40x128xi32, #tpu.memory_space<hbm>> -> memref<40x128xi32, #tpu.memory_space<hbm>>
      tpu.wait_dma2 semaphore(%run_scoped3A : memref<!tpu.dma_semaphore, #tpu.memory_space<semaphore_mem>>) src(%dma_wait3A_25 : memref<40x128xi32, #tpu.memory_space<hbm>>) dst(%arg6 : memref<40x128xi32, #tpu.memory_space<vmem>>)
      tpu.yield
    }) : () -> ()
    %mul3A_1 = arith.constant 640 : i32
    %mul3A_2 = arith.muli %arg1, %mul3A_1 : i32
    "tpu.region"() ({
      %run_scoped3A = tpu.sem_alloc : memref<!tpu.dma_semaphore, #tpu.memory_space<semaphore_mem>>
      %dma_start3A = arith.constant 0 : i32
      %dma_start3A_12 = tpu.memref_slice %arg8[%mul3A_2, %dma_start3A] : memref<10240x16xf32, #tpu.memory_space<vmem_shared>> -> memref<640x16xf32, #tpu.memory_space<vmem_shared>>
      tpu.enqueue_dma source(%arg4 : memref<640x16xf32, #tpu.memory_space<hbm>>) target(%dma_start3A_12 : memref<640x16xf32, #tpu.memory_space<vmem_shared>>) target_semaphore(%run_scoped3A : memref<!tpu.dma_semaphore, #tpu.memory_space<semaphore_mem>>)
      %dma_wait3A = arith.constant 0 : i32
      %dma_wait3A_13 = tpu.memref_slice %arg8[%mul3A_2, %dma_wait3A] : memref<10240x16xf32, #tpu.memory_space<vmem_shared>> -> memref<640x16xf32, #tpu.memory_space<vmem_shared>>
      tpu.wait_dma2 semaphore(%run_scoped3A : memref<!tpu.dma_semaphore, #tpu.memory_space<semaphore_mem>>) src(%arg4 : memref<640x16xf32, #tpu.memory_space<hbm>>) dst(%dma_wait3A_13 : memref<640x16xf32, #tpu.memory_space<vmem_shared>>)
      tpu.yield
    }) : () -> ()
    %barrier3A = arith.constant 0 : index
    tpu.barrier barrier_id(%barrier3A)
    %scan3A = arith.constant 0 : i32
    %scan3A_3 = arith.constant 40 : i32
    %scan3A_4 = arith.addi %scan3A, %scan3A_3 : i32
    %scan3A_5 = arith.constant 1 : i32
    scf.for %scan3A_12 = %scan3A to %scan3A_4 step %scan3A_5  : i32 {
      %mul3A_13 = arith.constant 1 : i32
      %mul3A_14 = arith.muli %scan3A_12, %mul3A_13 : i32
      %add3A_15 = arith.constant 0 : i32
      %add3A_16 = arith.addi %add3A_15, %mul3A_14 : i32
      "tpu.region"() ({
        %run_scoped3A = tpu.sem_alloc : memref<!tpu.dma_semaphore, #tpu.memory_space<semaphore_mem>>
        %dma_start3A = arith.constant 0 : i32
        %dma_start3A_17 = tpu.memref_slice %arg6[%add3A_16, %dma_start3A] : memref<40x128xi32, #tpu.memory_space<vmem>> -> memref<1x128xi32, #tpu.memory_space<vmem>>
        %dma_start3A_18 = tpu.memref_squeeze %dma_start3A_17 : memref<1x128xi32, #tpu.memory_space<vmem>> -> memref<128xi32, #tpu.memory_space<vmem>>
        %dma_start3A_19 = arith.constant 0 : i32
        %dma_start3A_20 = arith.constant 0 : i32
        %dma_start3A_21 = tpu.memref_slice %arg8[%dma_start3A_19, %dma_start3A_20] : memref<10240x16xf32, #tpu.memory_space<vmem_shared>> -> memref<10240x16xf32, #tpu.memory_space<vmem_shared>>
        tpu.enqueue_indirect_dma source(%arg7 : memref<128x16xf32, #tpu.memory_space<vmem>>) target(%dma_start3A_21 : memref<10240x16xf32, #tpu.memory_space<vmem_shared>>) offsets(%dma_start3A_18 : memref<128xi32, #tpu.memory_space<vmem>>) semaphore(%run_scoped3A : memref<!tpu.dma_semaphore, #tpu.memory_space<semaphore_mem>>) {add = true}
        %dma_wait3A = arith.constant 0 : i32
        %dma_wait3A_22 = tpu.memref_slice %arg6[%add3A_16, %dma_wait3A] : memref<40x128xi32, #tpu.memory_space<vmem>> -> memref<1x128xi32, #tpu.memory_space<vmem>>
        %dma_wait3A_23 = tpu.memref_squeeze %dma_wait3A_22 : memref<1x128xi32, #tpu.memory_space<vmem>> -> memref<128xi32, #tpu.memory_space<vmem>>
        %dma_wait3A_24 = arith.constant 0 : i32
        %dma_wait3A_25 = arith.constant 0 : i32
        %dma_wait3A_26 = tpu.memref_slice %arg8[%dma_wait3A_24, %dma_wait3A_25] : memref<10240x16xf32, #tpu.memory_space<vmem_shared>> -> memref<10240x16xf32, #tpu.memory_space<vmem_shared>>
        tpu.wait_indirect_dma semaphore(%run_scoped3A : memref<!tpu.dma_semaphore, #tpu.memory_space<semaphore_mem>>) src(%arg7 : memref<128x16xf32, #tpu.memory_space<vmem>>) dst(%dma_wait3A_26 : memref<10240x16xf32, #tpu.memory_space<vmem_shared>>)
        tpu.yield
      }) : () -> ()
    }
    %scan3A_6 = arith.constant 40 : i32
    %barrier3A_7 = arith.constant 0 : index
    tpu.barrier barrier_id(%barrier3A_7)
    %mul3A_8 = arith.constant 640 : i32
    %mul3A_9 = arith.muli %arg1, %mul3A_8 : i32
    %mul3A_10 = arith.constant 640 : i32
    %mul3A_11 = arith.muli %arg1, %mul3A_10 : i32
    "tpu.region"() ({
      %run_scoped3A = tpu.sem_alloc : memref<!tpu.dma_semaphore, #tpu.memory_space<semaphore_mem>>
      %dma_start3A = arith.constant 0 : i32
      %dma_start3A_12 = tpu.memref_slice %arg5[%arg0, %mul3A_11, %dma_start3A] : memref<2x10240x16xf32, #tpu.memory_space<hbm>> -> memref<1x640x16xf32, #tpu.memory_space<hbm>>
      %dma_start3A_13 = tpu.memref_squeeze %dma_start3A_12 : memref<1x640x16xf32, #tpu.memory_space<hbm>> -> memref<640x16xf32, #tpu.memory_space<hbm>>
      %dma_start3A_14 = arith.constant 0 : i32
      %dma_start3A_15 = tpu.memref_slice %arg8[%mul3A_9, %dma_start3A_14] : memref<10240x16xf32, #tpu.memory_space<vmem_shared>> -> memref<640x16xf32, #tpu.memory_space<vmem_shared>>
      tpu.enqueue_dma source(%dma_start3A_15 : memref<640x16xf32, #tpu.memory_space<vmem_shared>>) target(%dma_start3A_13 : memref<640x16xf32, #tpu.memory_space<hbm>>) target_semaphore(%run_scoped3A : memref<!tpu.dma_semaphore, #tpu.memory_space<semaphore_mem>>)
      %dma_wait3A = arith.constant 0 : i32
      %dma_wait3A_16 = tpu.memref_slice %arg5[%arg0, %mul3A_11, %dma_wait3A] : memref<2x10240x16xf32, #tpu.memory_space<hbm>> -> memref<1x640x16xf32, #tpu.memory_space<hbm>>
      %dma_wait3A_17 = tpu.memref_squeeze %dma_wait3A_16 : memref<1x640x16xf32, #tpu.memory_space<hbm>> -> memref<640x16xf32, #tpu.memory_space<hbm>>
      %dma_wait3A_18 = arith.constant 0 : i32
      %dma_wait3A_19 = tpu.memref_slice %arg8[%mul3A_9, %dma_wait3A_18] : memref<10240x16xf32, #tpu.memory_space<vmem_shared>> -> memref<640x16xf32, #tpu.memory_space<vmem_shared>>
      tpu.wait_dma2 semaphore(%run_scoped3A : memref<!tpu.dma_semaphore, #tpu.memory_space<semaphore_mem>>) src(%dma_wait3A_19 : memref<640x16xf32, #tpu.memory_space<vmem_shared>>) dst(%dma_wait3A_17 : memref<640x16xf32, #tpu.memory_space<hbm>>)
      tpu.yield
    }) : () -> ()
    return
  }
}

module attributes {stable_mosaic.version = 14 : i64} {
  func.func @_mm_body(%arg0: i32, %arg1: memref<400x514xf32, #tpu.memory_space<vmem>>, %arg2: memref<514x128xf32, #tpu.memory_space<vmem>>, %arg3: memref<400x128xf32, #tpu.memory_space<vmem>>) attributes {dimension_semantics = [#tpu.dimension_semantics<arbitrary>], iteration_bounds = array<i64: 25>, scalar_prefetch = 0 : i64, scratch_operands = 0 : i64, tpu.core_type = #tpu.core_type<tc>, window_params = [{transform_indices = @transform_0, window_bounds = array<i64: 400, 514>}, {pipeline_mode = #tpu.pipeline_mode<synchronous>, transform_indices = @transform_1, window_bounds = array<i64: 514, 128>}, {transform_indices = @transform_2, window_bounds = array<i64: 400, 128>}]} {
    %get3A = arith.constant 0 : index
    %get3A_0 = arith.constant 0 : index
    %get3A_1 = vector.load %arg1[%get3A, %get3A_0] : memref<400x514xf32, #tpu.memory_space<vmem>>, vector<400x514xf32>
    %get3A_2 = arith.constant 0 : index
    %get3A_3 = arith.constant 0 : index
    %get3A_4 = vector.load %arg2[%get3A_2, %get3A_3] : memref<514x128xf32, #tpu.memory_space<vmem>>, vector<514x128xf32>
    %dot_general3A = arith.constant dense<0.000000e+00> : vector<400x128xf32>
    %dot_general3A_5 = tpu.matmul %get3A_1, %get3A_4, %dot_general3A {dimension_numbers = #tpu.dot_dimension_numbers<[1], [0], [0], [1], [0, 0, 1, 1], [], []>, transpose_lhs_hint = false} : vector<400x514xf32>, vector<514x128xf32>, vector<400x128xf32> -> vector<400x128xf32>
    %swap3A = arith.constant 0 : index
    %swap3A_6 = arith.constant 0 : index
    %swap3A_7 = vector.load %arg3[%swap3A, %swap3A_6] : memref<400x128xf32, #tpu.memory_space<vmem>>, vector<400x128xf32>
    tpu.vector_store %arg3[%swap3A, %swap3A_6], %dot_general3A_5 {strides = array<i32>} : memref<400x128xf32, #tpu.memory_space<vmem>>, vector<400x128xf32>,
    return
  }
  func.func @transform_0(%arg0: i32) -> (i32, i32) {
    %c0_i32 = arith.constant 0 : i32
    %c0_i32_0 = arith.constant 0 : i32
    return %arg0, %c0_i32 : i32, i32
  }
  func.func @transform_1(%arg0: i32) -> (i32, i32) {
    %c0_i32 = arith.constant 0 : i32
    %c0_i32_0 = arith.constant 0 : i32
    %c0_i32_1 = arith.constant 0 : i32
    return %c0_i32, %c0_i32_0 : i32, i32
  }
  func.func @transform_2(%arg0: i32) -> (i32, i32) {
    %c0_i32 = arith.constant 0 : i32
    %c0_i32_0 = arith.constant 0 : i32
    return %arg0, %c0_i32 : i32, i32
  }
}

module attributes {stable_mosaic.version = 14 : i64} {
  func.func @_scale_body(%arg0: memref<2x10240x16xf32, #tpu.memory_space<vmem>>, %arg1: memref<10000x128xf32, #tpu.memory_space<vmem>>, %arg2: memref<10000x128xf32, #tpu.memory_space<vmem>>, %arg3: memref<10000x1xf32, #tpu.memory_space<vmem>>) attributes {dimension_semantics = [], scalar_prefetch = 0 : i64, scratch_operands = 0 : i64, tpu.core_type = #tpu.core_type<tc>} {
    %get3A = arith.constant 0 : index
    %get3A_0 = arith.constant 0 : index
    %get3A_1 = arith.constant 0 : index
    %get3A_2 = vector.load %arg0[%get3A, %get3A_0, %get3A_1] : memref<2x10240x16xf32, #tpu.memory_space<vmem>>, vector<1x10000x1xf32>
    %get3A_3 = vector.shape_cast %get3A_2 : vector<1x10000x1xf32> to vector<10000x1xf32>
    %get3A_4 = arith.constant 1 : index
    %get3A_5 = arith.constant 0 : index
    %get3A_6 = arith.constant 0 : index
    %get3A_7 = vector.load %arg0[%get3A_4, %get3A_5, %get3A_6] : memref<2x10240x16xf32, #tpu.memory_space<vmem>>, vector<1x10000x1xf32>
    %get3A_8 = vector.shape_cast %get3A_7 : vector<1x10000x1xf32> to vector<10000x1xf32>
    %add3A = arith.addf %get3A_3, %get3A_8 : vector<10000x1xf32>
    %add3A_9 = arith.constant 1.000000e+00 : f32
    %add3A_10 = vector.broadcast %add3A_9 : f32 to vector<10000x1xf32>
    %add3A_11 = arith.addf %add3A, %add3A_10 : vector<10000x1xf32>
    %rsqrt3A = math.rsqrt %add3A_11 : vector<10000x1xf32>
    %swap3A = arith.constant 0 : index
    %swap3A_12 = arith.constant 0 : index
    %swap3A_13 = vector.load %arg3[%swap3A, %swap3A_12] : memref<10000x1xf32, #tpu.memory_space<vmem>>, vector<10000x1xf32>
    tpu.vector_store %arg3[%swap3A, %swap3A_12], %rsqrt3A {strides = array<i32>} : memref<10000x1xf32, #tpu.memory_space<vmem>>, vector<10000x1xf32>,
    %get3A_14 = arith.constant 0 : index
    %get3A_15 = arith.constant 0 : index
    %get3A_16 = vector.load %arg1[%get3A_14, %get3A_15] : memref<10000x128xf32, #tpu.memory_space<vmem>>, vector<10000x128xf32>
    %mul3A = vector.broadcast %rsqrt3A : vector<10000x1xf32> to vector<10000x128xf32>
    %mul3A_17 = arith.mulf %get3A_16, %mul3A : vector<10000x128xf32>
    %swap3A_18 = arith.constant 0 : index
    %swap3A_19 = arith.constant 0 : index
    %swap3A_20 = vector.load %arg2[%swap3A_18, %swap3A_19] : memref<10000x128xf32, #tpu.memory_space<vmem>>, vector<10000x128xf32>
    tpu.vector_store %arg2[%swap3A_18, %swap3A_19], %mul3A_17 {strides = array<i32>} : memref<10000x128xf32, #tpu.memory_space<vmem>>, vector<10000x128xf32>,
    return
  }
}

module attributes {stable_mosaic.version = 14 : i64} {
  func.func @_layer2_body(%arg0: memref<2x10240x128xf32, #tpu.memory_space<vmem>>, %arg1: memref<10000x128xf32, #tpu.memory_space<vmem>>, %arg2: memref<10000x1xf32, #tpu.memory_space<vmem>>, %arg3: memref<1x128xf32, #tpu.memory_space<vmem>>, %arg4: memref<128x16xf32, #tpu.memory_space<vmem>>, %arg5: memref<10000x16xf32, #tpu.memory_space<vmem>>) attributes {dimension_semantics = [], scalar_prefetch = 0 : i64, scratch_operands = 0 : i64, tpu.core_type = #tpu.core_type<tc>} {
    %get3A = arith.constant 0 : index
    %get3A_0 = arith.constant 0 : index
    %get3A_1 = vector.load %arg2[%get3A, %get3A_0] : memref<10000x1xf32, #tpu.memory_space<vmem>>, vector<10000x1xf32>
    %get3A_2 = arith.constant 0 : index
    %get3A_3 = arith.constant 0 : index
    %get3A_4 = arith.constant 0 : index
    %get3A_5 = vector.load %arg0[%get3A_2, %get3A_3, %get3A_4] : memref<2x10240x128xf32, #tpu.memory_space<vmem>>, vector<1x10000x128xf32>
    %get3A_6 = vector.shape_cast %get3A_5 : vector<1x10000x128xf32> to vector<10000x128xf32>
    %get3A_7 = arith.constant 1 : index
    %get3A_8 = arith.constant 0 : index
    %get3A_9 = arith.constant 0 : index
    %get3A_10 = vector.load %arg0[%get3A_7, %get3A_8, %get3A_9] : memref<2x10240x128xf32, #tpu.memory_space<vmem>>, vector<1x10000x128xf32>
    %get3A_11 = vector.shape_cast %get3A_10 : vector<1x10000x128xf32> to vector<10000x128xf32>
    %add3A = arith.addf %get3A_6, %get3A_11 : vector<10000x128xf32>
    %get3A_12 = arith.constant 0 : index
    %get3A_13 = arith.constant 0 : index
    %get3A_14 = vector.load %arg1[%get3A_12, %get3A_13] : memref<10000x128xf32, #tpu.memory_space<vmem>>, vector<10000x128xf32>
    %add3A_15 = arith.addf %add3A, %get3A_14 : vector<10000x128xf32>
    %mul3A = vector.broadcast %get3A_1 : vector<10000x1xf32> to vector<10000x128xf32>
    %mul3A_16 = arith.mulf %add3A_15, %mul3A : vector<10000x128xf32>
    %get3A_17 = arith.constant 0 : index
    %get3A_18 = arith.constant 0 : index
    %get3A_19 = vector.load %arg3[%get3A_17, %get3A_18] : memref<1x128xf32, #tpu.memory_space<vmem>>, vector<1x128xf32>
    %add3A_20 = vector.broadcast %get3A_19 : vector<1x128xf32> to vector<10000x128xf32>
    %add3A_21 = arith.addf %mul3A_16, %add3A_20 : vector<10000x128xf32>
    %max3A = arith.constant 0.000000e+00 : f32
    %max3A_22 = vector.broadcast %max3A : f32 to vector<10000x128xf32>
    %max3A_23 = arith.maximumf %add3A_21, %max3A_22 : vector<10000x128xf32>
    %get3A_24 = arith.constant 0 : index
    %get3A_25 = arith.constant 0 : index
    %get3A_26 = vector.load %arg4[%get3A_24, %get3A_25] : memref<128x16xf32, #tpu.memory_space<vmem>>, vector<128x16xf32>
    %dot_general3A = arith.constant dense<0.000000e+00> : vector<10000x16xf32>
    %dot_general3A_27 = tpu.matmul %max3A_23, %get3A_26, %dot_general3A {dimension_numbers = #tpu.dot_dimension_numbers<[1], [0], [0], [1], [0, 0, 1, 1], [], []>, transpose_lhs_hint = false} : vector<10000x128xf32>, vector<128x16xf32>, vector<10000x16xf32> -> vector<10000x16xf32>
    %mul3A_28 = vector.broadcast %get3A_1 : vector<10000x1xf32> to vector<10000x16xf32>
    %mul3A_29 = arith.mulf %dot_general3A_27, %mul3A_28 : vector<10000x16xf32>
    %swap3A = arith.constant 0 : index
    %swap3A_30 = arith.constant 0 : index
    %swap3A_31 = vector.load %arg5[%swap3A, %swap3A_30] : memref<10000x16xf32, #tpu.memory_space<vmem>>, vector<10000x16xf32>
    tpu.vector_store %arg5[%swap3A, %swap3A_30], %mul3A_29 {strides = array<i32>} : memref<10000x16xf32, #tpu.memory_space<vmem>>, vector<10000x16xf32>,
    return
  }
}

module attributes {stable_mosaic.version = 14 : i64} {
  func.func @_pool_body(%arg0: memref<2x10240x16xf32, #tpu.memory_space<vmem>>, %arg1: memref<10000x16xf32, #tpu.memory_space<vmem>>, %arg2: memref<10000x1xf32, #tpu.memory_space<vmem>>, %arg3: memref<1x16xf32, #tpu.memory_space<vmem>>, %arg4: memref<10000x1xi32, #tpu.memory_space<vmem>>, %arg5: memref<64x2xf32, #tpu.memory_space<vmem>>) attributes {dimension_semantics = [], scalar_prefetch = 0 : i64, scratch_operands = 0 : i64, tpu.core_type = #tpu.core_type<tc>} {
    %get3A = arith.constant 0 : index
    %get3A_0 = arith.constant 0 : index
    %get3A_1 = arith.constant 0 : index
    %get3A_2 = vector.load %arg0[%get3A, %get3A_0, %get3A_1] : memref<2x10240x16xf32, #tpu.memory_space<vmem>>, vector<1x10000x16xf32>
    %get3A_3 = vector.shape_cast %get3A_2 : vector<1x10000x16xf32> to vector<10000x16xf32>
    %get3A_4 = arith.constant 1 : index
    %get3A_5 = arith.constant 0 : index
    %get3A_6 = arith.constant 0 : index
    %get3A_7 = vector.load %arg0[%get3A_4, %get3A_5, %get3A_6] : memref<2x10240x16xf32, #tpu.memory_space<vmem>>, vector<1x10000x16xf32>
    %get3A_8 = vector.shape_cast %get3A_7 : vector<1x10000x16xf32> to vector<10000x16xf32>
    %add3A = arith.addf %get3A_3, %get3A_8 : vector<10000x16xf32>
    %get3A_9 = arith.constant 0 : index
    %get3A_10 = arith.constant 0 : index
    %get3A_11 = vector.load %arg1[%get3A_9, %get3A_10] : memref<10000x16xf32, #tpu.memory_space<vmem>>, vector<10000x16xf32>
    %add3A_12 = arith.addf %add3A, %get3A_11 : vector<10000x16xf32>
    %get3A_13 = arith.constant 0 : index
    %get3A_14 = arith.constant 0 : index
    %get3A_15 = vector.load %arg2[%get3A_13, %get3A_14] : memref<10000x1xf32, #tpu.memory_space<vmem>>, vector<10000x1xf32>
    %mul3A = vector.broadcast %get3A_15 : vector<10000x1xf32> to vector<10000x16xf32>
    %mul3A_16 = arith.mulf %add3A_12, %mul3A : vector<10000x16xf32>
    %get3A_17 = arith.constant 0 : index
    %get3A_18 = arith.constant 0 : index
    %get3A_19 = vector.load %arg3[%get3A_17, %get3A_18] : memref<1x16xf32, #tpu.memory_space<vmem>>, vector<1x16xf32>
    %add3A_20 = vector.broadcast %get3A_19 : vector<1x16xf32> to vector<10000x16xf32>
    %add3A_21 = arith.addf %mul3A_16, %add3A_20 : vector<10000x16xf32>
    %iota3A = tpu.iota {dimensions = array<i32: 1>} : vector<10000x64xi32>
    %get3A_22 = arith.constant 0 : index
    %get3A_23 = arith.constant 0 : index
    %get3A_24 = vector.load %arg4[%get3A_22, %get3A_23] : memref<10000x1xi32, #tpu.memory_space<vmem>>, vector<10000x1xi32>
    %eq3A = vector.broadcast %get3A_24 : vector<10000x1xi32> to vector<10000x64xi32>
    %eq3A_25 = arith.cmpi eq, %eq3A, %iota3A : vector<10000x64xi32>
    %convert_element_type3A = arith.extui %eq3A_25 : vector<10000x64xi1> to vector<10000x64xi32>
    %convert_element_type3A_26 = arith.sitofp %convert_element_type3A : vector<10000x64xi32> to vector<10000x64xf32>
    %dot_general3A = arith.constant dense<0.000000e+00> : vector<64x16xf32>
    %dot_general3A_27 = tpu.matmul %convert_element_type3A_26, %add3A_21, %dot_general3A {dimension_numbers = #tpu.dot_dimension_numbers<[0], [0], [1], [1], [0, 1, 1, 1], [], []>, transpose_lhs_hint = false} : vector<10000x64xf32>, vector<10000x16xf32>, vector<64x16xf32> -> vector<64x16xf32>
    %slice3A = vector.extract_strided_slice %dot_general3A_27 {offsets = [0, 0], sizes = [64, 2], strides = [1, 1]} : vector<64x16xf32> to vector<64x2xf32>
    %slice3A_28 = vector.extract_strided_slice %dot_general3A_27 {offsets = [0, 2], sizes = [64, 1], strides = [1, 1]} : vector<64x16xf32> to vector<64x1xf32>
    %max3A = arith.constant 1.000000e+00 : f32
    %max3A_29 = vector.broadcast %max3A : f32 to vector<64x1xf32>
    %max3A_30 = arith.maximumf %slice3A_28, %max3A_29 : vector<64x1xf32>
    %div3A = vector.broadcast %max3A_30 : vector<64x1xf32> to vector<64x2xf32>
    %div3A_31 = arith.divf %slice3A, %div3A : vector<64x2xf32>
    %swap3A = arith.constant 0 : index
    %swap3A_32 = arith.constant 0 : index
    %swap3A_33 = vector.load %arg5[%swap3A, %swap3A_32] : memref<64x2xf32, #tpu.memory_space<vmem>>, vector<64x2xf32>
    tpu.vector_store %arg5[%swap3A, %swap3A_32], %div3A_31 {strides = array<i32>} : memref<64x2xf32, #tpu.memory_space<vmem>>, vector<64x2xf32>,
    return
  }
}

</mosaic_0001>

<sc_bundles>
// kernel: kernel.12.cloned.1.call-start
scs
__scs_entry_jumppad:
0x0: {  	(pc) =	sbr.rel $0x88, $3  }
0x1: {  	(tag) =	ssettag $0x0;
	lr =	simm.s32 $0x1  }
0x2: {  	[smem:$0x3F9A] =	sst lr;
	_ =	strace $0xD0000000  }
0x3: {  	_ = 	snop  }
0x4: {  	_ = 	snop  }
0x5: {  	_ = 	snop  }
0x6: {  	_ = 	snop  }
0x7: {  	_ = 	snop  }
__scs_overlays_trampoline_lowered:
0x8: {  	[smem:$0x3FA9] =	sst s0  }
0x9: {  	[smem:$0x3FAA] =	sst s1  }
0xa: {  	[smem:$0x3FAB] =	sst s2  }
0xb: {  	[smem:$0x3FAC] =	sst s3  }
0xc: {  	[smem:$0x3FAD] =	sst s4  }
0xd: {  	[smem:$0x3FAE] =	sst s5  }
0xe: {  	[smem:$0x3FAF] =	sst s6  }
0xf: {  	[smem:$0x3FB0] =	sst s7  }
0x10: {  	[smem:$0x3FB1] =	sst s8  }
0x11: {  	[smem:$0x3FB2] =	sst s9;
	s0 =	simm.s32 @!p0 $0x0  }
0x12: {  	s1 =	sld [smem:$0x3F98];
	s0 =	simm.s32 @p0 $0x1  }
0x13: {  	[smem:$0x3FB3] =	sst s0;
	s0 =	simm.s32 @!p1 $0x0  }
0x14: {  	s2 =	sld [smem:$0x3F97];
	s0 =	simm.s32 @p1 $0x1  }
0x15: {  	[smem:$0x3FB4] =	sst s0;
	s0 =	simm.s32 @!p2 $0x0  }
0x16: {  	s3 =	sld [smem:$0x3FDB];
	s0 =	simm.s32 @p2 $0x1  }
0x17: {  	s4 =	simm.s32 $0x1BF5;
	[smem:$0x3FB6] =	sst s0  }
0x18: {  	s0 =	sld [smem:$0x3F99];
	_ =	swait.ge [sflag:s4], $0x0  }
0x19: {  	s7 =	sld [smem:$0x3F9A]  }
0x1a: {  	s8 =	sadd.s32 $0xFFFFE003, lr  }
0x1b: {  	s9 =	sadd.s32 $0xFFFFFEF7, lr;
	s5 =	simm.s32 $0xFFFFFFFF;
	p2 =	slt.u32 s8, $0xFFFFF086  }
0x1c: {  	p1 =	slt.u32 s9, $0xF7A;
	s5 =	simm.s32 @!p2 $0x0  }
0x1d: {  	s5 =	simm.s32 @p1 $0x1;
	p0 =	seq.s32 s7, s2  }
0x1e: {  	s7 =	smul.u32 @!p0 $0xF7A, s2;
	p2 =	seq.s32 @!p0 s5, $0x0  }
0x1f: {  	s9 =	smul.u32 $0xF7A, s1;
	s8 =	simm.s32 @!p0 $0x1BF5;
	p2 =	por !p2, p0  }
0x20: {  	[sflag:s8] =	ssyncset.s32 @!p0 $0xFFFFF086;
	s6 =	sadd.s32 @!p0 s3, s7;
	s7 =	simm.s32 @!p0 $0x108  }
0x21: {  	s3 =	sadd.s32 s3, s9;
	s6 =	sadd.s32 @!p0 $0x88, s6;
	s7 =	simm.s32 @p2 $0x1082  }
0x22: {  	[simem:s7], [sflag:s8] =	dma.local @!p0 [hbm:s6], $0xF7A  }
0x23: {  	s9 =	sor.u32 $0xD0000000, s2;
	s6 =	simm.s32 $0x108;
	_ =	swait.ge @!p0 [sflag:s8], $0x0  }
0x24: {  	s3 =	sadd.s32 $0x88, s3;
	s6 =	simm.s32 @!p1 $0x1082;
	[sflag:s4] =	ssyncset.s32 $0xFFFFF086  }
0x25: {  	[simem:s6], [sflag:s4] =	dma.local [hbm:s3], $0xF7A  }
0x26: {  	[smem:$0x3F9A] =	sst s1;
	(tag) =	ssettag s2;
	_ =	strace s9  }
0x27: {  	s1 =	sld [smem:$0x3FAA]  }
0x28: {  	s2 =	sld [smem:$0x3FAB]  }
0x29: {  	s4 =	sld [smem:$0x3FAD]  }
0x2a: {  	p0 =	seq.s32 s5, $0x0;
	s5 =	sld [smem:$0x3FAE]  }
0x2b: {  	s6 =	sld [smem:$0x3FAF]  }
0x2c: {  	s7 =	sld [smem:$0x3FB0]  }
0x2d: {  	s3 =	simm.s32 $0x108;
	s8 =	sld [smem:$0x3FB1]  }
0x2e: {  	s3 =	simm.s32 @!p0 $0x1082;
	s9 =	sld [smem:$0x3FB2]  }
0x2f: {  	lr =	sadd.s32 s0, s3;
	s0 =	sld [smem:$0x3FA9]  }
0x30: {  	s3 =	sld [smem:$0x3FAC]  }
0x31: {  	[smem:$0x3FB5] =	sst s10  }
0x32: {  	s10 =	sld [smem:$0x3FB3];
	_ =	sdelay $0x3  }
0x33: {  	p0 =	seq.s32 s10, $0x1;
	s10 =	sld [smem:$0x3FB5];
	_ =	sdelay $0x3  }
0x34: {  	[smem:$0x3FB5] =	sst s10  }
0x35: {  	s10 =	sld [smem:$0x3FB4];
	_ =	sdelay $0x3  }
0x36: {  	p1 =	seq.s32 s10, $0x1;
	s10 =	sld [smem:$0x3FB5];
	_ =	sdelay $0x3  }
0x37: {  	[smem:$0x3FB5] =	sst s10  }
0x38: {  	s10 =	sld [smem:$0x3FB6]  }
0x39: {  	_ = 	snop;
	(pc) =	sbr.ind lr, $3  }
0x3a: {  	_ = 	snop  }
0x3b: {  	_ = 	snop  }
0x3c: {  	p2 =	seq.s32 s10, $0x1;
	s10 =	sld [smem:$0x3FB5]  }
0x3d: {  	_ =	shalt  }
0x3e: {  	_ =	shalt  }
0x3f: {  	_ =	shalt  }
0x40: {  	_ =	shalt  }
0x41: {  	_ =	shalt  }
0x42: {  	_ =	shalt  }
0x43: {  	_ =	shalt  }
0x44: {  	_ =	shalt  }
0x45: {  	_ =	shalt  }
0x46: {  	_ =	shalt  }
0x47: {  	_ =	shalt  }
0x48: {  	_ =	shalt  }
0x49: {  	_ =	shalt  }
0x4a: {  	_ =	shalt  }
0x4b: {  	_ =	shalt  }
0x4c: {  	_ =	shalt  }
0x4d: {  	_ =	shalt  }
0x4e: {  	_ =	shalt  }
0x4f: {  	_ =	shalt  }
0x50: {  	_ =	shalt  }
0x51: {  	_ =	shalt  }
0x52: {  	_ =	shalt  }
0x53: {  	_ =	shalt  }
0x54: {  	_ =	shalt  }
0x55: {  	_ =	shalt  }
0x56: {  	_ =	shalt  }
0x57: {  	_ =	shalt  }
0x58: {  	_ =	shalt  }
0x59: {  	_ =	shalt  }
0x5a: {  	_ =	shalt  }
0x5b: {  	_ =	shalt  }
0x5c: {  	_ =	shalt  }
0x5d: {  	_ =	shalt  }
0x5e: {  	_ =	shalt  }
0x5f: {  	_ =	shalt  }
0x60: {  	_ =	shalt  }
0x61: {  	_ =	shalt  }
0x62: {  	_ =	shalt  }
0x63: {  	_ =	shalt  }
0x64: {  	_ =	shalt  }
0x65: {  	_ =	shalt  }
0x66: {  	_ =	shalt  }
0x67: {  	_ =	shalt  }
0x68: {  	_ =	shalt  }
0x69: {  	_ =	shalt  }
0x6a: {  	_ =	shalt  }
0x6b: {  	_ =	shalt  }
0x6c: {  	_ =	shalt  }
0x6d: {  	_ =	shalt  }
0x6e: {  	_ =	shalt  }
0x6f: {  	_ =	shalt  }
0x70: {  	_ =	shalt  }
0x71: {  	_ =	shalt  }
0x72: {  	_ =	shalt  }
0x73: {  	_ =	shalt  }
0x74: {  	_ =	shalt  }
0x75: {  	_ =	shalt  }
0x76: {  	_ =	shalt  }
0x77: {  	_ =	shalt  }
0x78: {  	_ =	shalt  }
0x79: {  	_ =	shalt  }
0x7a: {  	_ =	shalt  }
0x7b: {  	_ =	shalt  }
0x7c: {  	_ =	shalt  }
0x7d: {  	_ =	shalt  }
0x7e: {  	_ =	shalt  }
0x7f: {  	_ =	shalt  }
0x80: {  	_ =	shalt  }
0x81: {  	_ =	shalt  }
0x82: {  	_ =	shalt  }
0x83: {  	_ =	shalt  }
0x84: {  	_ =	shalt  }
0x85: {  	_ =	shalt  }
0x86: {  	_ =	shalt  }
0x87: {  	_ =	shalt  }
.Lfunc_end0:
.L_simem_size_0:
called_computation.1_lowered:
.L_overlay_start_0:
0x88: {  	s2 =	sld [smem:$0x3FD9]  }
0x89: {  	s3 =	sld [smem:$0x3FFE];
	_ =	sdelay $0x1  }
0x8a: {  	s1 =	srdreg.scid  }
0x8b: {  	s0 =	sand.u32 $0x1, s1  }
0x8c: {  	s16 =	sshll.u32 s0, $0xA;
	s2 =	sadd.s32 s3, s2  }
0x8d: {  	s2 =	sadd.s32 s2, s16  }
0x8e: {  	[smem:$0x3FC1] =	sst s2  }
0x8f: {  	_ = 	snop  }
0x90: {  	(tm) =	ssettm $0x1  }
0x91: {  	s17 =	sld [smem:$0x3FFB];
	_ =	sdelay $0x3  }
0x92: {  	_ =	strace s17  }
0x93: {  	s2 =	sld [smem:$0x3FFC];
	_ =	sdelay $0x3  }
0x94: {  	_ =	strace s2  }
0x95: {  	s2 =	sld [smem:$0x3FFD];
	_ =	sdelay $0x3  }
0x96: {  	_ =	strace s2  }
0x97: {  	_ =	strace $0x8FFFFFFF  }
0x98: {  	s18 =	sld [smem:$0x3FDB];
	_ =	sdelay $0x1  }
0x99: {  	s19 =	simm.s32 $_scs_section_size  }
0x9a: {  	s4 =	simm.s32 $_size__tile_overlayer_lowered;
	s5 =	simm.s32 $_tile_overlayer_lowered  }
0x9b: {  	s22 =	simm.s32 $0x1BFF;
	s21 =	sshll.u32 s5, $0x1;
	s2 =	sadd.s32 s19, s18  }
0x9c: {  	s6 =	simm.s32 $0x0;
	s20 =	sshll.u32 s4, $0x1;
	s4 =	sadd.s32 s21, s2  }
0x9d: {  	[timem:s6], [sflag:s22] =	dma.local [hbm:s4], s20  }
0x9e: {  	_ =	swait.ge [sflag:s22], s20  }
0x9f: {  	s3 =	ssub.s32 $0x0, s20;
	[sflag:s22] =	ssyncset.done $0x0  }
0xa0: {  	[sflag:s22] =	ssyncadd.s32 s3;
	_ =	sdelay $0x1  }
0xa1: {  	s23 =	simm.s32 $0x1B8B  }
0xa2: {  	_ =	swait.ge [sflag:s23], $0x1  }
0xa3: {  	[sflag:s23] =	ssyncset.done $0x0  }
0xa4: {  	s25 =	simm.s32 $0x1B8E;
	s24 =	sld [smem:$0x3FFE];
	[sflag:s23] =	ssyncadd.s32 $0xFFFFFFFF  }
0xa5: {  	s26 =	simm.s32 $execute0_lowered;
	[smem:$0x3FD2] =	sst s25  }
0xa6: {  	s4 =	sshll.u32 s26, $0x1;
	_ =	strace $0x80000049;
	[dreg:$0x1] =	wrdreg $0xFFFFFFFF  }
0xa7: {  	s28 =	simm.s32 $_size_execute0_lowered;
	s2 =	sadd.s32 s2, s4;
	[dreg:$0x0] =	wrdreg $0x0  }
0xa8: {  	s4 =	sshll.u32 s28, $0x1;
	[dreg:$0x2] =	wrdreg s2  }
0xa9: {  	[dreg:$0x3] =	wrdreg s4  }
0xaa: {  	[dreg:$0x4] =	wrdreg $0xC0  }
0xab: {  	_ =	task [dreg:s6], $0x5FFFF  }
0xac: {  	[dreg:$0x1] =	wrdreg $0xFFFFFFFF  }
0xad: {  	[dreg:$0x0] =	wrdreg $0x60  }
0xae: {  	[dreg:$0x2] =	wrdreg s24  }
0xaf: {  	[dreg:$0x3] =	wrdreg $0xA8000  }
0xb0: {  	[dreg:$0x4] =	wrdreg $0x9  }
0xb1: {  	_ =	task.clear_ibuf [dreg:s6], $0x5FFFF;
	_ =	strace $0x90000049  }
0xb2: {  	s29 =	simm.s32 $0x9;
	_ =	strace $0x8000004B  }
0xb3: {  	_ =	swait.ge [sflag:s29], $0x1  }
0xb4: {  	[sflag:s29] =	ssyncadd.s32 $0xFFFFFFFF  }
0xb5: {  	_ =	strace $0x9000004B  }
0xb6: {  	_ =	sfence  }
0xb7: {  	s30 =	sld [smem:$0x0];
	_ =	sdelay $0x2  }
0xb8: {  	s31 =	sshll.u32 s1, $0xD;
	s1 =	sshrl.u32 s1, $0x2  }
0xb9: {  	s3 =	sand.u32 $0x4000, s31;
	s1 =	sadd.s32 s1, s30  }
0xba: {  	s0 =	sor.u32 s3, s0;
	s1 =	sshll.u32 s1, $0x11  }
0xbb: {  	s0 =	sor.u32 s1, s0  }
0xbc: {  	s0 =	sadd.s32 $0x8F2B, s0  }
0xbd: {  	[sflag:s0] =	ssyncadd.remote.s32 $0x1  }
0xbe: {  	_ =	sfence.sel $0xFFFF  }
0xbf: {  	[dreg:$0x0] =	wrdreg $0xFFFFFFFF;
	(pc) =	sbr.abs _section_cstart, $3  }
0xc0: {  	[dreg:$0x1] =	wrdreg $0xFFFFFFFF  }
0xc1: {  	_ =	task.clear_ibuf [dreg:s6], $0x2FFFF;
	_ =	strace $0x9FFFFFFF  }
0xc2: {  	(tm) =	ssettm $0x7FFFFFFF  }
0xc3: {  	_ =	shalt  }
tec
execute0_lowered:
.L_overlay_start_1:
0x0: {  	(tag) =	ssettag $0x1  }
0x1: {  	s6 =	rddreg [dreg:$0x0]  }
0x2: {  	s0 =	srdreg.scid;
	s2 =	rddreg [dreg:$0x1];
	s3 =	simm.s32 $0x0  }
0x3: {  	s14 =	simm.s32 $0x80;
	s15 =	simm.s32 $0x2800;
	s16 =	simm.s32 $0x6800  }
0x4: {  	s17 =	simm.s32 $0x1;
	s18 =	simm.s32 $0x2;
	s19 =	simm.s32 $0x2700  }
0x5: {  	s20 =	simm.s32 $0x2780;
	s5 =	sand.u32 $0x1, s0;
	s0 =	stileid.u32  }
0x6: {  	s21 =	simm.s32 $0x0;
	[smem:$0x7FF] =	sst s3;
	s8 =	smul.u32 $0x140000, s5  }
0x7: {  	s4 =	sadd.s32 $0xD000, s6;
	s1 =	sshll.u32 s5, $0x4;
	s9 =	smul.u32 $0x14000, s0  }
0x8: {  	s31 =	ssub.s32 $0x2, s5;
	s10 =	smul.u32 $0x50000, s0;
	s5 =	sadd.s32 $0x34200, s6  }
0x9: {  	s12 =	sshll.u32 s0, $0x6;
	s1 =	sor.u32 s0, s1;
	s11 =	sshrl.u32 s31, $0x1  }
0xa: {  	s12 =	sor.u32 $0x1C03, s12;
	s7 =	smul.u32 $0x280, s1;
	s1 =	rddreg [dreg:$0x2]  }
0xb: {  	_ =	strace $0x8000004A;
	s8 =	sadd.s32 s9, s8;
	s9 =	ssub.s32 s31, s11  }
0xc: {  	s10 =	sshrl.u32 s10, $0x2;
	s11 =	simm.s32 $0x1400;
	s8 =	sshrl.u32 s8, $0x3  }
0xd: {  	s13 =	sadd.s32 s10, s2;
	s9 =	smax.u32 s9, $0x1;
	s10 =	simm.s32 $0x3  }
0xe: {  	s7 =	sadd.s32 s7, s6;
	s8 =	sadd.s32 s8, s6;
	s13 =	sshrl.u32 s13, $0x3  }
0xf: {  	s6 =	sadd.s32 $0x8000, s7;
	s7 =	sadd.s32 $0x3000, s7;
	s8 =	sadd.s32 $0x36A00, s8  }
.LBB2_1:
0x10: {  	[tilespmem:s3], [sflag:$0x3] =	stream.linear.gather [hbm4b:s6+s3], $0x1400, $0x38;
	[tilespmem:$0x1E800] =	vst v63  }
0x11: {  	_ =	swait.ge [sflag:s10], $0x1400  }
0x12: {  	[sflag:s10] =	ssyncset.done $0x0  }
0x13: {  	[sflag:s10] =	ssyncadd.s32 $0xFFFFEC00  }
0x14: {  	[tilespmem:s11], [sflag:$0x3] =	stream.linear.gather [hbm4b:s7+s3], $0x1400, $0x38;
	[tilespmem:$0x1E800] =	vst v63  }
0x15: {  	_ =	swait.ge [sflag:s10], $0x1400  }
0x16: {  	[sflag:s10] =	ssyncset.done $0x0  }
0x17: {  	[sflag:s10] =	ssyncadd.s32 $0xFFFFEC00  }
0x18: {  	[spmem:s13], [sflag:s12] =	dma.local [hbm:s5], $0x2800  }
0x19: {  	_ =	swait.ge [sflag:s10], $0x2800  }
0x1a: {  	[sflag:s10] =	ssyncset.done $0x0  }
0x1b: {  	[sflag:s10] =	ssyncadd.s32 $0xFFFFD800  }
0x1c: {  	[bflag:$0x0] =	sbarrier.arrive $0xFFFF  }
0x1d: {  	[tilespmem:s15], [sflag:$0x1] =	stream.indirect.gather [hbm4b:s4+s14], $0x80, s3, s14, $0xb8;
	[tilespmem:$0x1E800] =	vst v63  }
0x1e: {  	_ = 	snop  }
0x1f: {  	[tilespmem:s16], [sflag:$0x2] =	stream.indirect.gather [hbm4b:s4+s14], $0x80, s14, s14, $0xb8;
	[tilespmem:$0x1E800] =	vst v63  }
0x20: {  	_ =	swait.ge [sflag:s17], $0x4000  }
0x21: {  	[sflag:s17] =	ssyncset.done $0x0  }
0x22: {  	s22 =	simm.s32 $0x1400;
	[sflag:s17] =	ssyncadd.s32 $0xFFFFC000  }
0x23: {  	[spmem:s2] =	stream.indirect.scatter.add.f32 [tilespmem:s15], [sflag:$0x3], $0x80, s22, s14, $0xb8;
	[tilespmem:$0x1E800] =	vst v63  }
0x24: {  	_ =	swait.ge [sflag:s10], $0x4000  }
0x25: {  	[sflag:s10] =	ssyncset.done $0x0  }
0x26: {  	s30 =	simm.s32 $0x100;
	[sflag:s10] =	ssyncadd.s32 $0xFFFFC000  }
0x27: {  	[tilespmem:s15], [sflag:$0x1] =	stream.indirect.gather [hbm4b:s4+s14], $0x80, s30, s14, $0xb8;
	[tilespmem:$0x1E800] =	vst v63  }
0x28: {  	_ =	swait.ge [sflag:s18], $0x4000  }
0x29: {  	[sflag:s18] =	ssyncset.done $0x0  }
0x2a: {  	s31 =	simm.s32 $0x1480;
	[sflag:s18] =	ssyncadd.s32 $0xFFFFC000  }
0x2b: {  	[spmem:s2] =	stream.indirect.scatter.add.f32 [tilespmem:s16], [sflag:$0x3], $0x80, s31, s14, $0xb8;
	[tilespmem:$0x1E800] =	vst v63  }
0x2c: {  	_ =	swait.ge [sflag:s10], $0x4000  }
0x2d: {  	[sflag:s10] =	ssyncset.done $0x0  }
0x2e: {  	s23 =	simm.s32 $0x180;
	s22 =	simm.s32 $0x400;
	[sflag:s10] =	ssyncadd.s32 $0xFFFFC000  }
.LBB2_2:
0x2f: {  	[tilespmem:s16], [sflag:$0x2] =	stream.indirect.gather [hbm4b:s4+s14], $0x80, s23, s14, $0xb8;
	[tilespmem:$0x1E800] =	vst v63  }
0x30: {  	s23 =	smov.u32 s22  }
0x31: {  	p0 =	sne.s32 s22, $0x4800;
	s22 =	sadd.s32 $0x400, s22;
	_ =	swait.ge [sflag:s17], $0x4000  }
0x32: {  	s23 =	sshra.s32 s23, $0x2;
	[sflag:s17] =	ssyncset.done $0x0  }
0x33: {  	s24 =	sadd.s32 $0x1400, s23;
	[sflag:s17] =	ssyncadd.s32 $0xFFFFC000  }
0x34: {  	[spmem:s2] =	stream.indirect.scatter.add.f32 [tilespmem:s15], [sflag:$0x3], $0x80, s24, s14, $0xb8;
	[tilespmem:$0x1E800] =	vst v63  }
0x35: {  	_ =	swait.ge [sflag:s10], $0x4000  }
0x36: {  	[sflag:s10] =	ssyncset.done $0x0  }
0x37: {  	s24 =	sadd.s32 $0x100, s23;
	[sflag:s10] =	ssyncadd.s32 $0xFFFFC000  }
0x38: {  	[tilespmem:s15], [sflag:$0x1] =	stream.indirect.gather [hbm4b:s4+s14], $0x80, s24, s14, $0xb8;
	[tilespmem:$0x1E800] =	vst v63  }
0x39: {  	_ =	swait.ge [sflag:s18], $0x4000  }
0x3a: {  	[sflag:s18] =	ssyncset.done $0x0  }
.Ltmp0:
0x3b: {  	s24 =	sadd.s32 $0x1480, s23;
	[sflag:s18] =	ssyncadd.s32 $0xFFFFC000;
	(pc) =	sbr.rel @p0 .LBB2_2-.Ltmp0, $4  }
0x3c: {  	[spmem:s2] =	stream.indirect.scatter.add.f32 [tilespmem:s16], [sflag:$0x3], $0x80, s24, s14, $0xb8;
	[tilespmem:$0x1E800] =	vst v63  }
0x3d: {  	_ =	swait.ge [sflag:s10], $0x4000  }
0x3e: {  	[sflag:s10] =	ssyncset.done $0x0  }
0x3f: {  	s23 =	sadd.s32 $0x180, s23;
	[sflag:s10] =	ssyncadd.s32 $0xFFFFC000  }
0x40: {  	[tilespmem:s16], [sflag:$0x2] =	stream.indirect.gather [hbm4b:s4+s14], $0x80, s23, s14, $0xb8;
	[tilespmem:$0x1E800] =	vst v63  }
0x41: {  	_ =	swait.ge [sflag:s17], $0x4000  }
0x42: {  	[sflag:s17] =	ssyncset.done $0x0  }
0x43: {  	[sflag:s17] =	ssyncadd.s32 $0xFFFFC000  }
0x44: {  	[spmem:s2] =	stream.indirect.scatter.add.f32 [tilespmem:s15], [sflag:$0x3], $0x80, s19, s14, $0xb8;
	[tilespmem:$0x1E800] =	vst v63  }
0x45: {  	_ =	swait.ge [sflag:s10], $0x4000  }
0x46: {  	[sflag:s10] =	ssyncset.done $0x0  }
0x47: {  	[sflag:s10] =	ssyncadd.s32 $0xFFFFC000  }
0x48: {  	_ =	swait.ge [sflag:s18], $0x4000  }
0x49: {  	[sflag:s18] =	ssyncset.done $0x0  }
0x4a: {  	[sflag:s18] =	ssyncadd.s32 $0xFFFFC000  }
0x4b: {  	[spmem:s2] =	stream.indirect.scatter.add.f32 [tilespmem:s16], [sflag:$0x3], $0x80, s20, s14, $0xb8;
	[tilespmem:$0x1E800] =	vst v63  }
0x4c: {  	_ =	swait.ge [sflag:s10], $0x4000  }
0x4d: {  	s21 =	sadd.s32 $0x1, s21;
	[sflag:s10] =	ssyncset.done $0x0  }
0x4e: {  	p0 =	sne.s32 s21, s9;
	[sflag:s10] =	ssyncadd.s32 $0xFFFFC000  }
.Ltmp1:
0x4f: {  	[bflag:$0x0] =	sbarrier.arrive $0xFFFF;
	(pc) =	sbr.rel @p0 .LBB2_1-.Ltmp1, $4  }
0x50: {  	[hbm:s8], [sflag:s12] =	dma.local [spmem:s13], $0x2800  }
0x51: {  	_ =	swait.ge [sflag:s10], $0x2800  }
0x52: {  	[sflag:s10] =	ssyncset.done $0x0  }
0x53: {  	[sflag:s10] =	ssyncadd.s32 $0xFFFFD800  }
0x54: {  	_ =	sfence.sel $0x180000  }
0x55: {  	[bflag:$0x0] =	sbarrier.arrive $0xFFFF  }
0x56: {  	p0 =	sne.s32 s0, $0x0;
	_ =	strace $0x9000004A  }
0x57: {  	s0 =	sadd.s32 @!p0 $0x100000, s1;
	[bflag:$0x2] =	sbarrier.arrive $0xFFFF  }
0x58: {  	[sflag:s0] =	ssyncadd.tile.s32 @!p0 $0x1;
	_ =	shalt  }
.Lfunc_end2:
_tile_overlayer_lowered:
.L_overlay_start_2:
0x59: {  	(tag) =	ssettag $0x2  }
0x5a: {  	s0 =	rddreg [dreg:$0x0];
	s2 =	stileid.u32  }
0x5b: {  	s1 =	rddreg [dreg:$0x1];
	p0 =	sne.s32 s2, $0x0  }
0x5c: {  	s3 =	rddreg [dreg:$0x2];
	[bflag:$0x3] =	sbarrier.arrive $0xFFFF;
	s2 =	simm.s32 @!p0 $0x1C03  }
0x5d: {  	[timem:s3], [sflag:s2] =	dma.local @!p0 [hbm:s0], s1  }
0x5e: {  	s0 =	simm.s32 @!p0 $0x3  }
0x5f: {  	_ =	swait.ge @!p0 [sflag:s0], s1  }
0x60: {  	s1 =	ssub.s32 @!p0 $0x0, s1;
	[sflag:s0] =	ssyncset.done @!p0 $0x0  }
0x61: {  	[sflag:s0] =	ssyncadd.s32 @!p0 s1  }
0x62: {  	[bflag:$0x3] =	sbarrier.arrive $0xFFFF  }
0x63: {  	_ =	shalt  }

// kernel: kernel.15.cloned.1.call-start
scs
__scs_entry_jumppad:
0x0: {  	(pc) =	sbr.rel $0x88, $3  }
0x1: {  	(tag) =	ssettag $0x0;
	lr =	simm.s32 $0x1  }
0x2: {  	[smem:$0x3F9A] =	sst lr;
	_ =	strace $0xD0000000  }
0x3: {  	_ = 	snop  }
0x4: {  	_ = 	snop  }
0x5: {  	_ = 	snop  }
0x6: {  	_ = 	snop  }
0x7: {  	_ = 	snop  }
__scs_overlays_trampoline_lowered:
0x8: {  	[smem:$0x3FA9] =	sst s0  }
0x9: {  	[smem:$0x3FAA] =	sst s1  }
0xa: {  	[smem:$0x3FAB] =	sst s2  }
0xb: {  	[smem:$0x3FAC] =	sst s3  }
0xc: {  	[smem:$0x3FAD] =	sst s4  }
0xd: {  	[smem:$0x3FAE] =	sst s5  }
0xe: {  	[smem:$0x3FAF] =	sst s6  }
0xf: {  	[smem:$0x3FB0] =	sst s7  }
0x10: {  	[smem:$0x3FB1] =	sst s8  }
0x11: {  	[smem:$0x3FB2] =	sst s9;
	s0 =	simm.s32 @!p0 $0x0  }
0x12: {  	s1 =	sld [smem:$0x3F98];
	s0 =	simm.s32 @p0 $0x1  }
0x13: {  	[smem:$0x3FB3] =	sst s0;
	s0 =	simm.s32 @!p1 $0x0  }
0x14: {  	s2 =	sld [smem:$0x3F97];
	s0 =	simm.s32 @p1 $0x1  }
0x15: {  	[smem:$0x3FB4] =	sst s0;
	s0 =	simm.s32 @!p2 $0x0  }
0x16: {  	s3 =	sld [smem:$0x3FDB];
	s0 =	simm.s32 @p2 $0x1  }
0x17: {  	s4 =	simm.s32 $0x1BF5;
	[smem:$0x3FB6] =	sst s0  }
0x18: {  	s0 =	sld [smem:$0x3F99];
	_ =	swait.ge [sflag:s4], $0x0  }
0x19: {  	s7 =	sld [smem:$0x3F9A]  }
0x1a: {  	s8 =	sadd.s32 $0xFFFFE003, lr  }
0x1b: {  	s9 =	sadd.s32 $0xFFFFFEF7, lr;
	s5 =	simm.s32 $0xFFFFFFFF;
	p2 =	slt.u32 s8, $0xFFFFF086  }
0x1c: {  	p1 =	slt.u32 s9, $0xF7A;
	s5 =	simm.s32 @!p2 $0x0  }
0x1d: {  	s5 =	simm.s32 @p1 $0x1;
	p0 =	seq.s32 s7, s2  }
0x1e: {  	s7 =	smul.u32 @!p0 $0xF7A, s2;
	p2 =	seq.s32 @!p0 s5, $0x0  }
0x1f: {  	s9 =	smul.u32 $0xF7A, s1;
	s8 =	simm.s32 @!p0 $0x1BF5;
	p2 =	por !p2, p0  }
0x20: {  	[sflag:s8] =	ssyncset.s32 @!p0 $0xFFFFF086;
	s6 =	sadd.s32 @!p0 s3, s7;
	s7 =	simm.s32 @!p0 $0x108  }
0x21: {  	s3 =	sadd.s32 s3, s9;
	s6 =	sadd.s32 @!p0 $0x88, s6;
	s7 =	simm.s32 @p2 $0x1082  }
0x22: {  	[simem:s7], [sflag:s8] =	dma.local @!p0 [hbm:s6], $0xF7A  }
0x23: {  	s9 =	sor.u32 $0xD0000000, s2;
	s6 =	simm.s32 $0x108;
	_ =	swait.ge @!p0 [sflag:s8], $0x0  }
0x24: {  	s3 =	sadd.s32 $0x88, s3;
	s6 =	simm.s32 @!p1 $0x1082;
	[sflag:s4] =	ssyncset.s32 $0xFFFFF086  }
0x25: {  	[simem:s6], [sflag:s4] =	dma.local [hbm:s3], $0xF7A  }
0x26: {  	[smem:$0x3F9A] =	sst s1;
	(tag) =	ssettag s2;
	_ =	strace s9  }
0x27: {  	s1 =	sld [smem:$0x3FAA]  }
0x28: {  	s2 =	sld [smem:$0x3FAB]  }
0x29: {  	s4 =	sld [smem:$0x3FAD]  }
0x2a: {  	p0 =	seq.s32 s5, $0x0;
	s5 =	sld [smem:$0x3FAE]  }
0x2b: {  	s6 =	sld [smem:$0x3FAF]  }
0x2c: {  	s7 =	sld [smem:$0x3FB0]  }
0x2d: {  	s3 =	simm.s32 $0x108;
	s8 =	sld [smem:$0x3FB1]  }
0x2e: {  	s3 =	simm.s32 @!p0 $0x1082;
	s9 =	sld [smem:$0x3FB2]  }
0x2f: {  	lr =	sadd.s32 s0, s3;
	s0 =	sld [smem:$0x3FA9]  }
0x30: {  	s3 =	sld [smem:$0x3FAC]  }
0x31: {  	[smem:$0x3FB5] =	sst s10  }
0x32: {  	s10 =	sld [smem:$0x3FB3];
	_ =	sdelay $0x3  }
0x33: {  	p0 =	seq.s32 s10, $0x1;
	s10 =	sld [smem:$0x3FB5];
	_ =	sdelay $0x3  }
0x34: {  	[smem:$0x3FB5] =	sst s10  }
0x35: {  	s10 =	sld [smem:$0x3FB4];
	_ =	sdelay $0x3  }
0x36: {  	p1 =	seq.s32 s10, $0x1;
	s10 =	sld [smem:$0x3FB5];
	_ =	sdelay $0x3  }
0x37: {  	[smem:$0x3FB5] =	sst s10  }
0x38: {  	s10 =	sld [smem:$0x3FB6]  }
0x39: {  	_ = 	snop;
	(pc) =	sbr.ind lr, $3  }
0x3a: {  	_ = 	snop  }
0x3b: {  	_ = 	snop  }
0x3c: {  	p2 =	seq.s32 s10, $0x1;
	s10 =	sld [smem:$0x3FB5]  }
0x3d: {  	_ =	shalt  }
0x3e: {  	_ =	shalt  }
0x3f: {  	_ =	shalt  }
0x40: {  	_ =	shalt  }
0x41: {  	_ =	shalt  }
0x42: {  	_ =	shalt  }
0x43: {  	_ =	shalt  }
0x44: {  	_ =	shalt  }
0x45: {  	_ =	shalt  }
0x46: {  	_ =	shalt  }
0x47: {  	_ =	shalt  }
0x48: {  	_ =	shalt  }
0x49: {  	_ =	shalt  }
0x4a: {  	_ =	shalt  }
0x4b: {  	_ =	shalt  }
0x4c: {  	_ =	shalt  }
0x4d: {  	_ =	shalt  }
0x4e: {  	_ =	shalt  }
0x4f: {  	_ =	shalt  }
0x50: {  	_ =	shalt  }
0x51: {  	_ =	shalt  }
0x52: {  	_ =	shalt  }
0x53: {  	_ =	shalt  }
0x54: {  	_ =	shalt  }
0x55: {  	_ =	shalt  }
0x56: {  	_ =	shalt  }
0x57: {  	_ =	shalt  }
0x58: {  	_ =	shalt  }
0x59: {  	_ =	shalt  }
0x5a: {  	_ =	shalt  }
0x5b: {  	_ =	shalt  }
0x5c: {  	_ =	shalt  }
0x5d: {  	_ =	shalt  }
0x5e: {  	_ =	shalt  }
0x5f: {  	_ =	shalt  }
0x60: {  	_ =	shalt  }
0x61: {  	_ =	shalt  }
0x62: {  	_ =	shalt  }
0x63: {  	_ =	shalt  }
0x64: {  	_ =	shalt  }
0x65: {  	_ =	shalt  }
0x66: {  	_ =	shalt  }
0x67: {  	_ =	shalt  }
0x68: {  	_ =	shalt  }
0x69: {  	_ =	shalt  }
0x6a: {  	_ =	shalt  }
0x6b: {  	_ =	shalt  }
0x6c: {  	_ =	shalt  }
0x6d: {  	_ =	shalt  }
0x6e: {  	_ =	shalt  }
0x6f: {  	_ =	shalt  }
0x70: {  	_ =	shalt  }
0x71: {  	_ =	shalt  }
0x72: {  	_ =	shalt  }
0x73: {  	_ =	shalt  }
0x74: {  	_ =	shalt  }
0x75: {  	_ =	shalt  }
0x76: {  	_ =	shalt  }
0x77: {  	_ =	shalt  }
0x78: {  	_ =	shalt  }
0x79: {  	_ =	shalt  }
0x7a: {  	_ =	shalt  }
0x7b: {  	_ =	shalt  }
0x7c: {  	_ =	shalt  }
0x7d: {  	_ =	shalt  }
0x7e: {  	_ =	shalt  }
0x7f: {  	_ =	shalt  }
0x80: {  	_ =	shalt  }
0x81: {  	_ =	shalt  }
0x82: {  	_ =	shalt  }
0x83: {  	_ =	shalt  }
0x84: {  	_ =	shalt  }
0x85: {  	_ =	shalt  }
0x86: {  	_ =	shalt  }
0x87: {  	_ =	shalt  }
.Lfunc_end0:
.L_simem_size_0:
called_computation.2_lowered:
.L_overlay_start_0:
0x88: {  	s2 =	sld [smem:$0x3FD9]  }
0x89: {  	s3 =	sld [smem:$0x3FFE];
	_ =	sdelay $0x1  }
0x8a: {  	s1 =	srdreg.scid  }
0x8b: {  	s0 =	sand.u32 $0x1, s1  }
0x8c: {  	s16 =	sshll.u32 s0, $0xA;
	s2 =	sadd.s32 s3, s2  }
0x8d: {  	s2 =	sadd.s32 s2, s16  }
0x8e: {  	[smem:$0x3FC1] =	sst s2  }
0x8f: {  	_ = 	snop  }
0x90: {  	(tm) =	ssettm $0x1  }
0x91: {  	s17 =	sld [smem:$0x3FFB];
	_ =	sdelay $0x3  }
0x92: {  	_ =	strace s17  }
0x93: {  	s2 =	sld [smem:$0x3FFC];
	_ =	sdelay $0x3  }
0x94: {  	_ =	strace s2  }
0x95: {  	s2 =	sld [smem:$0x3FFD];
	_ =	sdelay $0x3  }
0x96: {  	_ =	strace s2  }
0x97: {  	_ =	strace $0x8FFFFFFF  }
0x98: {  	s18 =	sld [smem:$0x3FDB];
	_ =	sdelay $0x1  }
0x99: {  	s19 =	simm.s32 $_scs_section_size  }
0x9a: {  	s4 =	simm.s32 $_size__tile_overlayer_lowered;
	s5 =	simm.s32 $_tile_overlayer_lowered  }
0x9b: {  	s22 =	simm.s32 $0x1BFF;
	s21 =	sshll.u32 s5, $0x1;
	s2 =	sadd.s32 s19, s18  }
0x9c: {  	s6 =	simm.s32 $0x0;
	s20 =	sshll.u32 s4, $0x1;
	s4 =	sadd.s32 s21, s2  }
0x9d: {  	[timem:s6], [sflag:s22] =	dma.local [hbm:s4], s20  }
0x9e: {  	_ =	swait.ge [sflag:s22], s20  }
0x9f: {  	s3 =	ssub.s32 $0x0, s20;
	[sflag:s22] =	ssyncset.done $0x0  }
0xa0: {  	[sflag:s22] =	ssyncadd.s32 s3;
	_ =	sdelay $0x1  }
0xa1: {  	s23 =	simm.s32 $0x1B8B  }
0xa2: {  	_ =	swait.ge [sflag:s23], $0x1  }
0xa3: {  	[sflag:s23] =	ssyncset.done $0x0  }
0xa4: {  	s25 =	simm.s32 $0x1B8E;
	s24 =	sld [smem:$0x3FFE];
	[sflag:s23] =	ssyncadd.s32 $0xFFFFFFFF  }
0xa5: {  	s26 =	simm.s32 $execute0_lowered;
	[smem:$0x3FD2] =	sst s25  }
0xa6: {  	s4 =	sshll.u32 s26, $0x1;
	_ =	strace $0x8000004C;
	[dreg:$0x1] =	wrdreg $0xFFFFFFFF  }
0xa7: {  	s28 =	simm.s32 $_size_execute0_lowered;
	s2 =	sadd.s32 s2, s4;
	[dreg:$0x0] =	wrdreg $0x0  }
0xa8: {  	s4 =	sshll.u32 s28, $0x1;
	[dreg:$0x2] =	wrdreg s2  }
0xa9: {  	[dreg:$0x3] =	wrdreg s4  }
0xaa: {  	[dreg:$0x4] =	wrdreg $0xC0  }
0xab: {  	_ =	task [dreg:s6], $0x5FFFF  }
0xac: {  	[dreg:$0x1] =	wrdreg $0xFFFFFFFF  }
0xad: {  	[dreg:$0x0] =	wrdreg $0x60  }
0xae: {  	[dreg:$0x2] =	wrdreg s24  }
0xaf: {  	[dreg:$0x3] =	wrdreg $0x38000  }
0xb0: {  	[dreg:$0x4] =	wrdreg $0x9  }
0xb1: {  	_ =	task.clear_ibuf [dreg:s6], $0x5FFFF;
	_ =	strace $0x9000004C  }
0xb2: {  	s29 =	simm.s32 $0x9;
	_ =	strace $0x8000004E  }
0xb3: {  	_ =	swait.ge [sflag:s29], $0x1  }
0xb4: {  	[sflag:s29] =	ssyncadd.s32 $0xFFFFFFFF  }
0xb5: {  	_ =	strace $0x9000004E  }
0xb6: {  	_ =	sfence  }
0xb7: {  	s30 =	sld [smem:$0x0];
	_ =	sdelay $0x2  }
0xb8: {  	s31 =	sshll.u32 s1, $0xD;
	s1 =	sshrl.u32 s1, $0x2  }
0xb9: {  	s3 =	sand.u32 $0x4000, s31;
	s1 =	sadd.s32 s1, s30  }
0xba: {  	s0 =	sor.u32 s3, s0;
	s1 =	sshll.u32 s1, $0x11  }
0xbb: {  	s0 =	sor.u32 s1, s0  }
0xbc: {  	s0 =	sadd.s32 $0x8F2B, s0  }
0xbd: {  	[sflag:s0] =	ssyncadd.remote.s32 $0x1  }
0xbe: {  	_ =	sfence.sel $0xFFFF  }
0xbf: {  	[dreg:$0x0] =	wrdreg $0xFFFFFFFF;
	(pc) =	sbr.abs _section_cstart, $3  }
0xc0: {  	[dreg:$0x1] =	wrdreg $0xFFFFFFFF  }
0xc1: {  	_ =	task.clear_ibuf [dreg:s6], $0x2FFFF;
	_ =	strace $0x9FFFFFFF  }
0xc2: {  	(tm) =	ssettm $0x7FFFFFFF  }
0xc3: {  	_ =	shalt  }
tec
execute0_lowered:
.L_overlay_start_1:
0x0: {  	(tag) =	ssettag $0x1  }
0x1: {  	s6 =	rddreg [dreg:$0x0]  }
0x2: {  	s2 =	rddreg [dreg:$0x1];
	s3 =	srdreg.scid  }
0x3: {  	s0 =	rddreg [dreg:$0x2];
	s1 =	stileid.u32  }
0x4: {  	s14 =	simm.s32 $0x80;
	s15 =	simm.s32 $0x2800;
	s16 =	simm.s32 $0x3000  }
0x5: {  	s17 =	simm.s32 $0x1;
	s18 =	simm.s32 $0x2;
	s19 =	simm.s32 $0x2700  }
0x6: {  	s20 =	simm.s32 $0x2780;
	s21 =	simm.s32 $0x0;
	s5 =	sand.u32 $0x1, s3  }
0x7: {  	s3 =	simm.s32 $0x0;
	s8 =	smul.u32 $0x2800, s1;
	s31 =	sshll.u32 s1, $0x6  }
0x8: {  	s4 =	sshll.u32 s5, $0x4;
	[smem:$0x7FF] =	sst s3;
	s7 =	smul.u32 $0x28000, s5  }
0x9: {  	s10 =	ssub.s32 $0x2, s5;
	s5 =	sadd.s32 $0x12000, s6;
	s4 =	sor.u32 s1, s4  }
0xa: {  	_ =	strace $0x8000004D;
	s11 =	sshrl.u32 s10, $0x1;
	s13 =	sadd.s32 s8, s2  }
0xb: {  	s9 =	smul.u32 $0x280, s4;
	s4 =	sadd.s32 $0xD000, s6;
	s7 =	sadd.s32 s8, s7  }
0xc: {  	s10 =	ssub.s32 s10, s11;
	s11 =	simm.s32 $0x1400;
	s7 =	sshrl.u32 s7, $0x3  }
0xd: {  	s13 =	sshrl.u32 s13, $0x3;
	s9 =	sadd.s32 s9, s6;
	s12 =	sadd.s32 s7, s6  }
0xe: {  	s6 =	sadd.s32 $0x8000, s9;
	s7 =	sadd.s32 $0x3000, s9;
	s8 =	sadd.s32 $0x12600, s12  }
0xf: {  	s9 =	smax.u32 s10, $0x1;
	s10 =	simm.s32 $0x3;
	s12 =	sor.u32 $0x1C03, s31  }
.LBB2_1:
0x10: {  	[tilespmem:s3], [sflag:$0x3] =	stream.linear.gather [hbm4b:s6+s3], $0x1400, $0x38;
	[tilespmem:$0x6000] =	vst v63  }
0x11: {  	_ =	swait.ge [sflag:s10], $0x1400  }
0x12: {  	[sflag:s10] =	ssyncset.done $0x0  }
0x13: {  	[sflag:s10] =	ssyncadd.s32 $0xFFFFEC00  }
0x14: {  	[tilespmem:s11], [sflag:$0x3] =	stream.linear.gather [hbm4b:s7+s3], $0x1400, $0x38;
	[tilespmem:$0x6000] =	vst v63  }
0x15: {  	_ =	swait.ge [sflag:s10], $0x1400  }
0x16: {  	[sflag:s10] =	ssyncset.done $0x0  }
0x17: {  	[sflag:s10] =	ssyncadd.s32 $0xFFFFEC00  }
0x18: {  	[spmem:s13], [sflag:s12] =	dma.local [hbm:s5], $0x500  }
0x19: {  	_ =	swait.ge [sflag:s10], $0x500  }
0x1a: {  	[sflag:s10] =	ssyncset.done $0x0  }
0x1b: {  	[sflag:s10] =	ssyncadd.s32 $0xFFFFFB00  }
0x1c: {  	[bflag:$0x0] =	sbarrier.arrive $0xFFFF  }
0x1d: {  	[tilespmem:s15], [sflag:$0x1] =	stream.indirect.gather [hbm4b:s4+s14], $0x10, s3, s14, $0xb8;
	[tilespmem:$0x6000] =	vst v63  }
0x1e: {  	_ = 	snop  }
0x1f: {  	[tilespmem:s16], [sflag:$0x2] =	stream.indirect.gather [hbm4b:s4+s14], $0x10, s14, s14, $0xb8;
	[tilespmem:$0x6000] =	vst v63  }
0x20: {  	_ =	swait.ge [sflag:s17], $0x800  }
0x21: {  	[sflag:s17] =	ssyncset.done $0x0  }
0x22: {  	s22 =	simm.s32 $0x1400;
	[sflag:s17] =	ssyncadd.s32 $0xFFFFF800  }
0x23: {  	[spmem:s2] =	stream.indirect.scatter.add.f32 [tilespmem:s15], [sflag:$0x3], $0x10, s22, s14, $0xb8;
	[tilespmem:$0x6000] =	vst v63  }
0x24: {  	_ =	swait.ge [sflag:s10], $0x800  }
0x25: {  	[sflag:s10] =	ssyncset.done $0x0  }
0x26: {  	s30 =	simm.s32 $0x100;
	[sflag:s10] =	ssyncadd.s32 $0xFFFFF800  }
0x27: {  	[tilespmem:s15], [sflag:$0x1] =	stream.indirect.gather [hbm4b:s4+s14], $0x10, s30, s14, $0xb8;
	[tilespmem:$0x6000] =	vst v63  }
0x28: {  	_ =	swait.ge [sflag:s18], $0x800  }
0x29: {  	[sflag:s18] =	ssyncset.done $0x0  }
0x2a: {  	s31 =	simm.s32 $0x1480;
	[sflag:s18] =	ssyncadd.s32 $0xFFFFF800  }
0x2b: {  	[spmem:s2] =	stream.indirect.scatter.add.f32 [tilespmem:s16], [sflag:$0x3], $0x10, s31, s14, $0xb8;
	[tilespmem:$0x6000] =	vst v63  }
0x2c: {  	_ =	swait.ge [sflag:s10], $0x800  }
0x2d: {  	[sflag:s10] =	ssyncset.done $0x0  }
0x2e: {  	s23 =	simm.s32 $0x180;
	s22 =	simm.s32 $0x400;
	[sflag:s10] =	ssyncadd.s32 $0xFFFFF800  }
.LBB2_2:
0x2f: {  	[tilespmem:s16], [sflag:$0x2] =	stream.indirect.gather [hbm4b:s4+s14], $0x10, s23, s14, $0xb8;
	[tilespmem:$0x6000] =	vst v63  }
0x30: {  	s23 =	smov.u32 s22  }
0x31: {  	p0 =	sne.s32 s22, $0x4800;
	s22 =	sadd.s32 $0x400, s22;
	_ =	swait.ge [sflag:s17], $0x800  }
0x32: {  	s23 =	sshra.s32 s23, $0x2;
	[sflag:s17] =	ssyncset.done $0x0  }
0x33: {  	s24 =	sadd.s32 $0x1400, s23;
	[sflag:s17] =	ssyncadd.s32 $0xFFFFF800  }
0x34: {  	[spmem:s2] =	stream.indirect.scatter.add.f32 [tilespmem:s15], [sflag:$0x3], $0x10, s24, s14, $0xb8;
	[tilespmem:$0x6000] =	vst v63  }
0x35: {  	_ =	swait.ge [sflag:s10], $0x800  }
0x36: {  	[sflag:s10] =	ssyncset.done $0x0  }
0x37: {  	s24 =	sadd.s32 $0x100, s23;
	[sflag:s10] =	ssyncadd.s32 $0xFFFFF800  }
0x38: {  	[tilespmem:s15], [sflag:$0x1] =	stream.indirect.gather [hbm4b:s4+s14], $0x10, s24, s14, $0xb8;
	[tilespmem:$0x6000] =	vst v63  }
0x39: {  	_ =	swait.ge [sflag:s18], $0x800  }
0x3a: {  	[sflag:s18] =	ssyncset.done $0x0  }
.Ltmp0:
0x3b: {  	s24 =	sadd.s32 $0x1480, s23;
	[sflag:s18] =	ssyncadd.s32 $0xFFFFF800;
	(pc) =	sbr.rel @p0 .LBB2_2-.Ltmp0, $4  }
0x3c: {  	[spmem:s2] =	stream.indirect.scatter.add.f32 [tilespmem:s16], [sflag:$0x3], $0x10, s24, s14, $0xb8;
	[tilespmem:$0x6000] =	vst v63  }
0x3d: {  	_ =	swait.ge [sflag:s10], $0x800  }
0x3e: {  	[sflag:s10] =	ssyncset.done $0x0  }
0x3f: {  	s23 =	sadd.s32 $0x180, s23;
	[sflag:s10] =	ssyncadd.s32 $0xFFFFF800  }
0x40: {  	[tilespmem:s16], [sflag:$0x2] =	stream.indirect.gather [hbm4b:s4+s14], $0x10, s23, s14, $0xb8;
	[tilespmem:$0x6000] =	vst v63  }
0x41: {  	_ =	swait.ge [sflag:s17], $0x800  }
0x42: {  	[sflag:s17] =	ssyncset.done $0x0  }
0x43: {  	[sflag:s17] =	ssyncadd.s32 $0xFFFFF800  }
0x44: {  	[spmem:s2] =	stream.indirect.scatter.add.f32 [tilespmem:s15], [sflag:$0x3], $0x10, s19, s14, $0xb8;
	[tilespmem:$0x6000] =	vst v63  }
0x45: {  	_ =	swait.ge [sflag:s10], $0x800  }
0x46: {  	[sflag:s10] =	ssyncset.done $0x0  }
0x47: {  	[sflag:s10] =	ssyncadd.s32 $0xFFFFF800  }
0x48: {  	_ =	swait.ge [sflag:s18], $0x800  }
0x49: {  	[sflag:s18] =	ssyncset.done $0x0  }
0x4a: {  	[sflag:s18] =	ssyncadd.s32 $0xFFFFF800  }
0x4b: {  	[spmem:s2] =	stream.indirect.scatter.add.f32 [tilespmem:s16], [sflag:$0x3], $0x10, s20, s14, $0xb8;
	[tilespmem:$0x6000] =	vst v63  }
0x4c: {  	_ =	swait.ge [sflag:s10], $0x800  }
0x4d: {  	s21 =	sadd.s32 $0x1, s21;
	[sflag:s10] =	ssyncset.done $0x0  }
0x4e: {  	p0 =	sne.s32 s21, s9;
	[sflag:s10] =	ssyncadd.s32 $0xFFFFF800  }
.Ltmp1:
0x4f: {  	[bflag:$0x0] =	sbarrier.arrive $0xFFFF;
	(pc) =	sbr.rel @p0 .LBB2_1-.Ltmp1, $4  }
0x50: {  	[hbm:s8], [sflag:s12] =	dma.local [spmem:s13], $0x500  }
0x51: {  	_ =	swait.ge [sflag:s10], $0x500  }
0x52: {  	[sflag:s10] =	ssyncset.done $0x0  }
0x53: {  	[sflag:s10] =	ssyncadd.s32 $0xFFFFFB00  }
0x54: {  	_ =	sfence.sel $0x180000  }
0x55: {  	[bflag:$0x0] =	sbarrier.arrive $0xFFFF  }
0x56: {  	p0 =	sne.s32 s1, $0x0;
	_ =	strace $0x9000004D  }
0x57: {  	s0 =	sadd.s32 @!p0 $0x100000, s0;
	[bflag:$0x2] =	sbarrier.arrive $0xFFFF  }
0x58: {  	[sflag:s0] =	ssyncadd.tile.s32 @!p0 $0x1;
	_ =	shalt  }
.Lfunc_end2:
_tile_overlayer_lowered:
.L_overlay_start_2:
0x59: {  	(tag) =	ssettag $0x2  }
0x5a: {  	s0 =	rddreg [dreg:$0x0];
	s2 =	stileid.u32  }
0x5b: {  	s1 =	rddreg [dreg:$0x1];
	p0 =	sne.s32 s2, $0x0  }
0x5c: {  	s3 =	rddreg [dreg:$0x2];
	[bflag:$0x3] =	sbarrier.arrive $0xFFFF;
	s2 =	simm.s32 @!p0 $0x1C03  }
0x5d: {  	[timem:s3], [sflag:s2] =	dma.local @!p0 [hbm:s0], s1  }
0x5e: {  	s0 =	simm.s32 @!p0 $0x3  }
0x5f: {  	_ =	swait.ge @!p0 [sflag:s0], s1  }
0x60: {  	s1 =	ssub.s32 @!p0 $0x0, s1;
	[sflag:s0] =	ssyncset.done @!p0 $0x0  }
0x61: {  	[sflag:s0] =	ssyncadd.s32 @!p0 s1  }
0x62: {  	[bflag:$0x3] =	sbarrier.arrive $0xFFFF  }
0x63: {  	_ =	shalt  }

// kernel: kernel.9.cloned.1.call-start
scs
__scs_entry_jumppad:
0x0: {  	(pc) =	sbr.rel $0x88, $3  }
0x1: {  	(tag) =	ssettag $0x0;
	lr =	simm.s32 $0x1  }
0x2: {  	[smem:$0x3F9A] =	sst lr;
	_ =	strace $0xD0000000  }
0x3: {  	_ = 	snop  }
0x4: {  	_ = 	snop  }
0x5: {  	_ = 	snop  }
0x6: {  	_ = 	snop  }
0x7: {  	_ = 	snop  }
__scs_overlays_trampoline_lowered:
0x8: {  	[smem:$0x3FA9] =	sst s0  }
0x9: {  	[smem:$0x3FAA] =	sst s1  }
0xa: {  	[smem:$0x3FAB] =	sst s2  }
0xb: {  	[smem:$0x3FAC] =	sst s3  }
0xc: {  	[smem:$0x3FAD] =	sst s4  }
0xd: {  	[smem:$0x3FAE] =	sst s5  }
0xe: {  	[smem:$0x3FAF] =	sst s6  }
0xf: {  	[smem:$0x3FB0] =	sst s7  }
0x10: {  	[smem:$0x3FB1] =	sst s8  }
0x11: {  	[smem:$0x3FB2] =	sst s9;
	s0 =	simm.s32 @!p0 $0x0  }
0x12: {  	s1 =	sld [smem:$0x3F98];
	s0 =	simm.s32 @p0 $0x1  }
0x13: {  	[smem:$0x3FB3] =	sst s0;
	s0 =	simm.s32 @!p1 $0x0  }
0x14: {  	s2 =	sld [smem:$0x3F97];
	s0 =	simm.s32 @p1 $0x1  }
0x15: {  	[smem:$0x3FB4] =	sst s0;
	s0 =	simm.s32 @!p2 $0x0  }
0x16: {  	s3 =	sld [smem:$0x3FDB];
	s0 =	simm.s32 @p2 $0x1  }
0x17: {  	s4 =	simm.s32 $0x1BF5;
	[smem:$0x3FB6] =	sst s0  }
0x18: {  	s0 =	sld [smem:$0x3F99];
	_ =	swait.ge [sflag:s4], $0x0  }
0x19: {  	s7 =	sld [smem:$0x3F9A]  }
0x1a: {  	s8 =	sadd.s32 $0xFFFFE003, lr  }
0x1b: {  	s9 =	sadd.s32 $0xFFFFFEF7, lr;
	s5 =	simm.s32 $0xFFFFFFFF;
	p2 =	slt.u32 s8, $0xFFFFF086  }
0x1c: {  	p1 =	slt.u32 s9, $0xF7A;
	s5 =	simm.s32 @!p2 $0x0  }
0x1d: {  	s5 =	simm.s32 @p1 $0x1;
	p0 =	seq.s32 s7, s2  }
0x1e: {  	s7 =	smul.u32 @!p0 $0xF7A, s2;
	p2 =	seq.s32 @!p0 s5, $0x0  }
0x1f: {  	s9 =	smul.u32 $0xF7A, s1;
	s8 =	simm.s32 @!p0 $0x1BF5;
	p2 =	por !p2, p0  }
0x20: {  	[sflag:s8] =	ssyncset.s32 @!p0 $0xFFFFF086;
	s6 =	sadd.s32 @!p0 s3, s7;
	s7 =	simm.s32 @!p0 $0x108  }
0x21: {  	s3 =	sadd.s32 s3, s9;
	s6 =	sadd.s32 @!p0 $0x88, s6;
	s7 =	simm.s32 @p2 $0x1082  }
0x22: {  	[simem:s7], [sflag:s8] =	dma.local @!p0 [hbm:s6], $0xF7A  }
0x23: {  	s9 =	sor.u32 $0xD0000000, s2;
	s6 =	simm.s32 $0x108;
	_ =	swait.ge @!p0 [sflag:s8], $0x0  }
0x24: {  	s3 =	sadd.s32 $0x88, s3;
	s6 =	simm.s32 @!p1 $0x1082;
	[sflag:s4] =	ssyncset.s32 $0xFFFFF086  }
0x25: {  	[simem:s6], [sflag:s4] =	dma.local [hbm:s3], $0xF7A  }
0x26: {  	[smem:$0x3F9A] =	sst s1;
	(tag) =	ssettag s2;
	_ =	strace s9  }
0x27: {  	s1 =	sld [smem:$0x3FAA]  }
0x28: {  	s2 =	sld [smem:$0x3FAB]  }
0x29: {  	s4 =	sld [smem:$0x3FAD]  }
0x2a: {  	p0 =	seq.s32 s5, $0x0;
	s5 =	sld [smem:$0x3FAE]  }
0x2b: {  	s6 =	sld [smem:$0x3FAF]  }
0x2c: {  	s7 =	sld [smem:$0x3FB0]  }
0x2d: {  	s3 =	simm.s32 $0x108;
	s8 =	sld [smem:$0x3FB1]  }
0x2e: {  	s3 =	simm.s32 @!p0 $0x1082;
	s9 =	sld [smem:$0x3FB2]  }
0x2f: {  	lr =	sadd.s32 s0, s3;
	s0 =	sld [smem:$0x3FA9]  }
0x30: {  	s3 =	sld [smem:$0x3FAC]  }
0x31: {  	[smem:$0x3FB5] =	sst s10  }
0x32: {  	s10 =	sld [smem:$0x3FB3];
	_ =	sdelay $0x3  }
0x33: {  	p0 =	seq.s32 s10, $0x1;
	s10 =	sld [smem:$0x3FB5];
	_ =	sdelay $0x3  }
0x34: {  	[smem:$0x3FB5] =	sst s10  }
0x35: {  	s10 =	sld [smem:$0x3FB4];
	_ =	sdelay $0x3  }
0x36: {  	p1 =	seq.s32 s10, $0x1;
	s10 =	sld [smem:$0x3FB5];
	_ =	sdelay $0x3  }
0x37: {  	[smem:$0x3FB5] =	sst s10  }
0x38: {  	s10 =	sld [smem:$0x3FB6]  }
0x39: {  	_ = 	snop;
	(pc) =	sbr.ind lr, $3  }
0x3a: {  	_ = 	snop  }
0x3b: {  	_ = 	snop  }
0x3c: {  	p2 =	seq.s32 s10, $0x1;
	s10 =	sld [smem:$0x3FB5]  }
0x3d: {  	_ =	shalt  }
0x3e: {  	_ =	shalt  }
0x3f: {  	_ =	shalt  }
0x40: {  	_ =	shalt  }
0x41: {  	_ =	shalt  }
0x42: {  	_ =	shalt  }
0x43: {  	_ =	shalt  }
0x44: {  	_ =	shalt  }
0x45: {  	_ =	shalt  }
0x46: {  	_ =	shalt  }
0x47: {  	_ =	shalt  }
0x48: {  	_ =	shalt  }
0x49: {  	_ =	shalt  }
0x4a: {  	_ =	shalt  }
0x4b: {  	_ =	shalt  }
0x4c: {  	_ =	shalt  }
0x4d: {  	_ =	shalt  }
0x4e: {  	_ =	shalt  }
0x4f: {  	_ =	shalt  }
0x50: {  	_ =	shalt  }
0x51: {  	_ =	shalt  }
0x52: {  	_ =	shalt  }
0x53: {  	_ =	shalt  }
0x54: {  	_ =	shalt  }
0x55: {  	_ =	shalt  }
0x56: {  	_ =	shalt  }
0x57: {  	_ =	shalt  }
0x58: {  	_ =	shalt  }
0x59: {  	_ =	shalt  }
0x5a: {  	_ =	shalt  }
0x5b: {  	_ =	shalt  }
0x5c: {  	_ =	shalt  }
0x5d: {  	_ =	shalt  }
0x5e: {  	_ =	shalt  }
0x5f: {  	_ =	shalt  }
0x60: {  	_ =	shalt  }
0x61: {  	_ =	shalt  }
0x62: {  	_ =	shalt  }
0x63: {  	_ =	shalt  }
0x64: {  	_ =	shalt  }
0x65: {  	_ =	shalt  }
0x66: {  	_ =	shalt  }
0x67: {  	_ =	shalt  }
0x68: {  	_ =	shalt  }
0x69: {  	_ =	shalt  }
0x6a: {  	_ =	shalt  }
0x6b: {  	_ =	shalt  }
0x6c: {  	_ =	shalt  }
0x6d: {  	_ =	shalt  }
0x6e: {  	_ =	shalt  }
0x6f: {  	_ =	shalt  }
0x70: {  	_ =	shalt  }
0x71: {  	_ =	shalt  }
0x72: {  	_ =	shalt  }
0x73: {  	_ =	shalt  }
0x74: {  	_ =	shalt  }
0x75: {  	_ =	shalt  }
0x76: {  	_ =	shalt  }
0x77: {  	_ =	shalt  }
0x78: {  	_ =	shalt  }
0x79: {  	_ =	shalt  }
0x7a: {  	_ =	shalt  }
0x7b: {  	_ =	shalt  }
0x7c: {  	_ =	shalt  }
0x7d: {  	_ =	shalt  }
0x7e: {  	_ =	shalt  }
0x7f: {  	_ =	shalt  }
0x80: {  	_ =	shalt  }
0x81: {  	_ =	shalt  }
0x82: {  	_ =	shalt  }
0x83: {  	_ =	shalt  }
0x84: {  	_ =	shalt  }
0x85: {  	_ =	shalt  }
0x86: {  	_ =	shalt  }
0x87: {  	_ =	shalt  }
.Lfunc_end0:
.L_simem_size_0:
called_computation_lowered:
.L_overlay_start_0:
0x88: {  	s2 =	sld [smem:$0x3FD9]  }
0x89: {  	s3 =	sld [smem:$0x3FFE];
	_ =	sdelay $0x1  }
0x8a: {  	s1 =	srdreg.scid  }
0x8b: {  	s0 =	sand.u32 $0x1, s1  }
0x8c: {  	s16 =	sshll.u32 s0, $0xA;
	s2 =	sadd.s32 s3, s2  }
0x8d: {  	s2 =	sadd.s32 s2, s16  }
0x8e: {  	[smem:$0x3FC1] =	sst s2  }
0x8f: {  	_ = 	snop  }
0x90: {  	(tm) =	ssettm $0x1  }
0x91: {  	s17 =	sld [smem:$0x3FFB];
	_ =	sdelay $0x3  }
0x92: {  	_ =	strace s17  }
0x93: {  	s2 =	sld [smem:$0x3FFC];
	_ =	sdelay $0x3  }
0x94: {  	_ =	strace s2  }
0x95: {  	s2 =	sld [smem:$0x3FFD];
	_ =	sdelay $0x3  }
0x96: {  	_ =	strace s2  }
0x97: {  	_ =	strace $0x8FFFFFFF  }
0x98: {  	s18 =	sld [smem:$0x3FDB];
	_ =	sdelay $0x1  }
0x99: {  	s19 =	simm.s32 $_scs_section_size  }
0x9a: {  	s4 =	simm.s32 $_size__tile_overlayer_lowered;
	s5 =	simm.s32 $_tile_overlayer_lowered  }
0x9b: {  	s22 =	simm.s32 $0x1BFF;
	s21 =	sshll.u32 s5, $0x1;
	s2 =	sadd.s32 s19, s18  }
0x9c: {  	s6 =	simm.s32 $0x0;
	s20 =	sshll.u32 s4, $0x1;
	s4 =	sadd.s32 s21, s2  }
0x9d: {  	[timem:s6], [sflag:s22] =	dma.local [hbm:s4], s20  }
0x9e: {  	_ =	swait.ge [sflag:s22], s20  }
0x9f: {  	s3 =	ssub.s32 $0x0, s20;
	[sflag:s22] =	ssyncset.done $0x0  }
0xa0: {  	[sflag:s22] =	ssyncadd.s32 s3;
	_ =	sdelay $0x1  }
0xa1: {  	s23 =	simm.s32 $0x1B8B  }
0xa2: {  	_ =	swait.ge [sflag:s23], $0x1  }
0xa3: {  	[sflag:s23] =	ssyncset.done $0x0  }
0xa4: {  	s25 =	simm.s32 $0x1B8E;
	s24 =	sld [smem:$0x3FFE];
	[sflag:s23] =	ssyncadd.s32 $0xFFFFFFFF  }
0xa5: {  	s26 =	simm.s32 $execute0_lowered;
	[smem:$0x3FD2] =	sst s25  }
0xa6: {  	s4 =	sshll.u32 s26, $0x1;
	_ =	strace $0x80000046;
	[dreg:$0x1] =	wrdreg $0xFFFFFFFF  }
0xa7: {  	s28 =	simm.s32 $_size_execute0_lowered;
	s2 =	sadd.s32 s2, s4;
	[dreg:$0x0] =	wrdreg $0x0  }
0xa8: {  	s4 =	sshll.u32 s28, $0x1;
	[dreg:$0x2] =	wrdreg s2  }
0xa9: {  	[dreg:$0x3] =	wrdreg s4  }
0xaa: {  	[dreg:$0x4] =	wrdreg $0xC0  }
0xab: {  	_ =	task [dreg:s6], $0x5FFFF  }
0xac: {  	[dreg:$0x1] =	wrdreg $0xFFFFFFFF  }
0xad: {  	[dreg:$0x0] =	wrdreg $0x60  }
0xae: {  	[dreg:$0x2] =	wrdreg s24  }
0xaf: {  	[dreg:$0x3] =	wrdreg $0x54000  }
0xb0: {  	[dreg:$0x4] =	wrdreg $0x9  }
0xb1: {  	_ =	task.clear_ibuf [dreg:s6], $0x5FFFF;
	_ =	strace $0x90000046  }
0xb2: {  	s29 =	simm.s32 $0x9;
	_ =	strace $0x80000048  }
0xb3: {  	_ =	swait.ge [sflag:s29], $0x1  }
0xb4: {  	[sflag:s29] =	ssyncadd.s32 $0xFFFFFFFF  }
0xb5: {  	_ =	strace $0x90000048  }
0xb6: {  	_ =	sfence  }
0xb7: {  	s30 =	sld [smem:$0x0];
	_ =	sdelay $0x2  }
0xb8: {  	s31 =	sshll.u32 s1, $0xD;
	s1 =	sshrl.u32 s1, $0x2  }
0xb9: {  	s3 =	sand.u32 $0x4000, s31;
	s1 =	sadd.s32 s1, s30  }
0xba: {  	s0 =	sor.u32 s3, s0;
	s1 =	sshll.u32 s1, $0x11  }
0xbb: {  	s0 =	sor.u32 s1, s0  }
0xbc: {  	s0 =	sadd.s32 $0x8F2B, s0  }
0xbd: {  	[sflag:s0] =	ssyncadd.remote.s32 $0x1  }
0xbe: {  	_ =	sfence.sel $0xFFFF  }
0xbf: {  	[dreg:$0x0] =	wrdreg $0xFFFFFFFF;
	(pc) =	sbr.abs _section_cstart, $3  }
0xc0: {  	[dreg:$0x1] =	wrdreg $0xFFFFFFFF  }
0xc1: {  	_ =	task.clear_ibuf [dreg:s6], $0x2FFFF;
	_ =	strace $0x9FFFFFFF  }
0xc2: {  	(tm) =	ssettm $0x7FFFFFFF  }
0xc3: {  	_ =	shalt  }
tec
execute0_lowered:
.L_overlay_start_1:
0x0: {  	(tag) =	ssettag $0x1  }
0x1: {  	s7 =	rddreg [dreg:$0x0]  }
0x2: {  	s0 =	srdreg.scid;
	s2 =	rddreg [dreg:$0x1]  }
0x3: {  	s3 =	simm.s32 $0x0;
	s13 =	simm.s32 $0x80;
	s6 =	sand.u32 $0x1, s0  }
0x4: {  	s14 =	simm.s32 $0x0;
	s0 =	stileid.u32;
	s5 =	smul.u32 $0x140000, s6  }
0x5: {  	[smem:$0x7FF] =	sst s3;
	s1 =	sshll.u32 s6, $0x4;
	s8 =	smul.u32 $0x14000, s0  }
0x6: {  	s10 =	smul.u32 $0x50000, s0;
	s6 =	ssub.s32 $0x2, s6;
	s11 =	sshll.u32 s0, $0x6  }
0x7: {  	s1 =	sor.u32 s0, s1;
	s31 =	sshrl.u32 s6, $0x1;
	s11 =	sor.u32 $0x1C01, s11  }
0x8: {  	s4 =	smul.u32 $0x280, s1;
	s1 =	rddreg [dreg:$0x2];
	_ =	strace $0x80000047  }
0x9: {  	s8 =	sadd.s32 s8, s5;
	s5 =	sadd.s32 $0xD000, s7;
	s10 =	sshrl.u32 s10, $0x2  }
0xa: {  	s8 =	sshrl.u32 s8, $0x3;
	s12 =	sadd.s32 s10, s2;
	s10 =	simm.s32 $0x1  }
0xb: {  	s9 =	sadd.s32 s4, s7;
	s4 =	sadd.s32 $0xF800, s7;
	s7 =	sadd.s32 s8, s7  }
0xc: {  	s8 =	ssub.s32 s6, s31;
	s12 =	sshrl.u32 s12, $0x3;
	s6 =	sadd.s32 $0x3000, s9  }
0xd: {  	s7 =	sadd.s32 $0x10000, s7;
	s8 =	smax.u32 s8, $0x1;
	s9 =	simm.s32 $0x1400  }
.LBB2_1:
0xe: {  	[tilespmem:s9], [sflag:$0x1] =	stream.linear.gather [hbm4b:s4+s3], $0x4000, $0x38;
	[tilespmem:$0x7C00] =	vst v63  }
0xf: {  	_ =	swait.ge [sflag:s10], $0x4000  }
0x10: {  	[sflag:s10] =	ssyncset.done $0x0  }
0x11: {  	[sflag:s10] =	ssyncadd.s32 $0xFFFFC000  }
0x12: {  	[tilespmem:s3], [sflag:$0x1] =	stream.linear.gather [hbm4b:s6+s3], $0x1400, $0x38;
	[tilespmem:$0x7C00] =	vst v63  }
0x13: {  	_ =	swait.ge [sflag:s10], $0x1400  }
0x14: {  	[sflag:s10] =	ssyncset.done $0x0  }
0x15: {  	[sflag:s10] =	ssyncadd.s32 $0xFFFFEC00  }
0x16: {  	[spmem:s12], [sflag:s11] =	dma.local [hbm:s5], $0x2800  }
0x17: {  	_ =	swait.ge [sflag:s10], $0x2800  }
0x18: {  	[sflag:s10] =	ssyncset.done $0x0  }
0x19: {  	[sflag:s10] =	ssyncadd.s32 $0xFFFFD800  }
0x1a: {  	s15 =	simm.s32 $0x0;
	[bflag:$0x0] =	sbarrier.arrive $0xFFFF  }
0x1b: {  	[spmem:s2] =	stream.indirect.scatter.add.f32 [tilespmem:s9], [sflag:$0x1], $0x10, s15, s13, $0xb8;
	[tilespmem:$0x7C00] =	vst v63  }
0x1c: {  	_ =	swait.ge [sflag:s10], $0x800  }
0x1d: {  	s15 =	simm.s32 $0x200;
	[sflag:s10] =	ssyncset.done $0x0  }
.LBB2_2:
0x1e: {  	s16 =	sshra.s32 s15, $0x2;
	[sflag:s10] =	ssyncadd.s32 $0xFFFFF800;
	p0 =	sne.s32 s15, $0x4E00  }
0x1f: {  	[spmem:s2] =	stream.indirect.scatter.add.f32 [tilespmem:s9], [sflag:$0x1], $0x10, s16, s13, $0xb8;
	[tilespmem:$0x7C00] =	vst v63  }
.Ltmp0:
0x20: {  	_ = 	snop;
	(pc) =	sbr.rel @p0 .LBB2_2-.Ltmp0, $4  }
0x21: {  	_ = 	snop  }
0x22: {  	s15 =	sadd.s32 $0x200, s15  }
0x23: {  	_ =	swait.ge [sflag:s10], $0x800  }
0x24: {  	[sflag:s10] =	ssyncset.done $0x0  }
0x25: {  	s14 =	sadd.s32 $0x1, s14  }
0x26: {  	[sflag:s10] =	ssyncadd.s32 $0xFFFFF800;
	p0 =	sne.s32 s14, s8  }
.Ltmp1:
0x27: {  	[bflag:$0x0] =	sbarrier.arrive $0xFFFF;
	(pc) =	sbr.rel @p0 .LBB2_1-.Ltmp1, $4  }
0x28: {  	[hbm:s7], [sflag:s11] =	dma.local [spmem:s12], $0x2800  }
0x29: {  	_ =	swait.ge [sflag:s10], $0x2800  }
0x2a: {  	[sflag:s10] =	ssyncset.done $0x0  }
0x2b: {  	[sflag:s10] =	ssyncadd.s32 $0xFFFFD800  }
0x2c: {  	_ =	sfence.sel $0x180000  }
0x2d: {  	[bflag:$0x0] =	sbarrier.arrive $0xFFFF  }
0x2e: {  	p0 =	sne.s32 s0, $0x0;
	_ =	strace $0x90000047  }
0x2f: {  	s0 =	sadd.s32 @!p0 $0x100000, s1;
	[bflag:$0x2] =	sbarrier.arrive $0xFFFF  }
0x30: {  	[sflag:s0] =	ssyncadd.tile.s32 @!p0 $0x1;
	_ =	shalt  }
.Lfunc_end2:
_tile_overlayer_lowered:
.L_overlay_start_2:
0x31: {  	(tag) =	ssettag $0x2  }
0x32: {  	s0 =	rddreg [dreg:$0x0];
	s2 =	stileid.u32  }
0x33: {  	s1 =	rddreg [dreg:$0x1];
	p0 =	sne.s32 s2, $0x0  }
0x34: {  	s3 =	rddreg [dreg:$0x2];
	[bflag:$0x3] =	sbarrier.arrive $0xFFFF;
	s2 =	simm.s32 @!p0 $0x1C01  }
0x35: {  	[timem:s3], [sflag:s2] =	dma.local @!p0 [hbm:s0], s1  }
0x36: {  	s0 =	simm.s32 @!p0 $0x1  }
0x37: {  	_ =	swait.ge @!p0 [sflag:s0], s1  }
0x38: {  	s1 =	ssub.s32 @!p0 $0x0, s1;
	[sflag:s0] =	ssyncset.done @!p0 $0x0  }
0x39: {  	[sflag:s0] =	ssyncadd.s32 @!p0 s1  }
0x3a: {  	[bflag:$0x3] =	sbarrier.arrive $0xFFFF  }
0x3b: {  	_ =	shalt  }

</sc_bundles>
